<compile_context>
chip_gen: v7x
topology: tpu7x:2x2x1
jax: 0.10.2.dev20260603
libtpu: 0.0.44.dev20260713+nightly
codegen_flags: <defaults>
</compile_context>

<pallas_src>
import functools

import jax
import jax.numpy as jnp
from jax import lax
from jax.experimental import pallas as pl
from jax.experimental.pallas import tpu as pltpu
from jax.experimental.pallas import tpu_sc as plsc

_BM = 512
_BN = 512


def _tile_metadata(idx, num_experts, num_pairs, bm):
    num_m = num_pairs // bm
    G = num_m + num_experts - 1
    counts = jnp.bincount(idx, length=num_experts).astype(jnp.int32)
    ends = jnp.cumsum(counts)
    starts = ends - counts
    first_blk = starts // bm
    last_blk = jnp.maximum(ends - 1, starts) // bm
    tiles_per_e = jnp.where(counts > 0, last_blk - first_blk + 1, 0)
    t_cum = jnp.cumsum(tiles_per_e)
    total = t_cum[-1]
    i = jnp.arange(G, dtype=jnp.int32)
    ic = jnp.minimum(i, total - 1)
    e_t = jnp.searchsorted(t_cum, ic, side="right").astype(jnp.int32)
    prev = jnp.where(e_t > 0, t_cum[jnp.maximum(e_t - 1, 0)], 0)
    tile_m = (first_blk[e_t] + (ic - prev)).astype(jnp.int32)
    active = i < total
    tile_s = jnp.where(active, starts[e_t], 0).astype(jnp.int32)
    tile_t = jnp.where(active, ends[e_t], 0).astype(jnp.int32)
    return e_t, tile_m, tile_s, tile_t


def _ffn_body(te, tm, ts, tt, xs_ref, w1_ref, w3_ref, w2_ref, o_ref, *, bm):
    i = pl.program_id(0)
    n = pl.program_id(1)
    prev_i = jnp.maximum(i - 1, 0)

    @pl.when((n == 0) & ((i == 0) | (tm[i] != tm[prev_i])))
    def _zero():
        o_ref[...] = jnp.zeros_like(o_ref)

    s = ts[i]
    t = tt[i]

    @pl.when(t > s)
    def _compute():
        x = xs_ref[...].astype(jnp.bfloat16)
        w1 = w1_ref[0].astype(jnp.bfloat16)
        w3 = w3_ref[0].astype(jnp.bfloat16)
        w2b = w2_ref[0].astype(jnp.bfloat16)
        dn = (((1,), (1,)), ((), ()))
        h1 = lax.dot_general(x, w1, dn, preferred_element_type=jnp.float32)
        h3 = lax.dot_general(x, w3, dn, preferred_element_type=jnp.float32)
        a = h1 * (1.0 / (1.0 + jnp.exp(-h1))) * h3
        y = lax.dot_general(a.astype(jnp.bfloat16), w2b, dn,
                            preferred_element_type=jnp.float32)
        rows = tm[i] * bm + lax.broadcasted_iota(jnp.int32, (bm, 1), 0)
        msk = (rows >= s) & (rows < t)
        o_ref[...] += jnp.where(msk, y, 0.0)


def _grouped_ffn(xs, w13, w2, te, tm, ts, tt, *, bm, bn):
    P, D = xs.shape
    E, two_i, _ = w13.shape
    inner = two_i // 2
    num_n = inner // bn

    def xs_map(i, n, te, tm, ts, tt):
        return (tm[i], 0)

    def w1_map(i, n, te, tm, ts, tt):
        return (te[i], n, 0)

    def w3_map(i, n, te, tm, ts, tt):
        return (te[i], n + num_n, 0)

    def w2_map(i, n, te, tm, ts, tt):
        return (te[i], 0, n)

    grid_spec = pltpu.PrefetchScalarGridSpec(
        num_scalar_prefetch=4,
        grid=(te.shape[0], num_n),
        in_specs=[
            pl.BlockSpec((bm, D), xs_map),
            pl.BlockSpec((1, bn, D), w1_map),
            pl.BlockSpec((1, bn, D), w3_map),
            pl.BlockSpec((1, D, bn), w2_map),
        ],
        out_specs=pl.BlockSpec((bm, D), xs_map),
    )
    return pl.pallas_call(
        functools.partial(_ffn_body, bm=bm),
        grid_spec=grid_spec,
        out_shape=jax.ShapeDtypeStruct((P, D), jnp.float32),
        compiler_params=pltpu.CompilerParams(
            dimension_semantics=("arbitrary", "arbitrary"),
        ),
    )(te, tm, ts, tt, xs, w13, w13, w2)


def _sc_gather(table, idxs):
    T, D = table.shape
    P = idxs.shape[0]
    info = plsc.get_sparse_core_info()
    nc, ns = info.num_cores, info.num_subcores
    nw = nc * ns
    bpw = P // nw
    nch = -(-bpw // 64)
    ch = bpw // nch
    idx3 = idxs.reshape(nw, nch, ch)
    mesh = plsc.VectorSubcoreMesh(core_axis_name="c", subcore_axis_name="s")

    @functools.partial(
        pl.kernel,
        mesh=mesh,
        out_type=jax.ShapeDtypeStruct((P, D), table.dtype),
        scratch_types=[
            pltpu.VMEM((nch, ch), jnp.int32),
            pltpu.VMEM((ch, D), table.dtype),
            pltpu.SemaphoreType.DMA,
        ],
    )
    def gk(table_hbm, idx_hbm, out_hbm, idx_v, rows_v, sem):
        wid = lax.axis_index("s") * nc + lax.axis_index("c")
        base = wid * bpw
        pltpu.sync_copy(idx_hbm.at[wid], idx_v)
        for c in range(nch):
            pltpu.async_copy(table_hbm.at[idx_v.at[c]], rows_v, sem).wait()
            pltpu.sync_copy(rows_v, out_hbm.at[pl.ds(base + c * ch, ch)])

    return gk(table, idx3)


def kernel(x, expert_indices, w13, w2):
    M, D = x.shape
    E = w13.shape[0]
    A = expert_indices.shape[1]
    P = M * A

    idx = expert_indices.reshape(-1).astype(jnp.int32)
    order = jnp.argsort(idx, stable=True).astype(jnp.int32)
    rank = jnp.zeros((P,), jnp.int32).at[order].set(
        jnp.arange(P, dtype=jnp.int32))
    tok_sorted = order // A
    te, tm, ts, tt = _tile_metadata(idx, E, P, _BM)

    xs = _sc_gather(x, tok_sorted)
    ys = _grouped_ffn(xs, w13, w2, te, tm, ts, tt, bm=_BM, bn=_BN)
    return _sc_gather(ys, rank)

# --- scband reference (transcript-rebuilt; emitter-appended) ---
"""Pipeline reference for scband-conditional-feed-forward-9534827397919 (READ-ONLY COPY).

The authoritative reference and input builder live on the scoring server;
editing this copy changes nothing except your own understanding.
"""

import jax, jax.numpy as jnp
import numpy as np


def setup_inputs(seed: int = 0) -> dict:
    key = jax.random.key(seed)
    k1, k2, k3, k4 = jax.random.split(key, 4)
    M, D, E, I, A = 2048, 1024, 8, 2048, 2
    x = jax.random.normal(k1, (M, D), dtype=jnp.float32)
    expert_indices = jax.random.randint(k2, (M, A), 0, E, dtype=jnp.int32)
    # learned params per init_kwargs (trunc_normal std=0.02 approximated by normal*0.02)
    w13 = jax.random.normal(k3, (E, 2 * I, D), dtype=jnp.float32) * 0.02
    w2 = jax.random.normal(k4, (E, D, I), dtype=jnp.float32) * 0.02
    return {"x": x, "expert_indices": expert_indices, "w13": w13, "w2": w2}


def reference(x, expert_indices, w13, w2):
    # Faithful translation of ConditionalFeedForward.forward:
    # For each (token, routed-expert) pair (M*A pairs total):
    #   h  = x @ w13[e].T            -> [2*I], chunked into x1, x3
    #   y  = (silu(x1) * x3) @ w2[e].T -> [D]
    # Output is [M*A, D] in token-major (token0's A experts first), matching
    # moe_mm with top_k=A followed by moe_mm with top_k=1.
    M, D = x.shape
    E = w13.shape[0]
    A = expert_indices.shape[1]
    idx = expert_indices.reshape(-1)              # [M*A], token-major
    x_rep = jnp.repeat(x, A, axis=0)              # [M*A, D]
    out = jnp.zeros((M * A, D), dtype=x.dtype)
    for e in range(E):
        mask = (idx == e)[:, None]
        h = x_rep @ w13[e].T                      # [M*A, 2*I]
        x1, x3 = jnp.split(h, 2, axis=1)
        a = jax.nn.silu(x1) * x3                  # [M*A, I]
        y = a @ w2[e].T                           # [M*A, D]
        out = out + jnp.where(mask, y, 0.0)
    return out

if __name__ == "__main__":
    import jax
    _d = setup_inputs()
    print(jax.jit(kernel)(*tuple(_d.values())))

</pallas_src>

<mosaic_0001>
#map = affine_map<(d0, d1) -> (0, 0)>
#map1 = affine_map<(d0, d1) -> (0, 0, 0)>
module attributes {stable_mosaic.version = 14 : i64} {
  func.func @gk(%arg0: i32, %arg1: i32, %arg2: memref<4096x1024xf32, #tpu.memory_space<hbm>>, %arg3: memref<32x2x64xi32, #tpu.memory_space<hbm>>, %arg4: memref<4096x1024xf32, #tpu.memory_space<hbm>>, %arg5: memref<2x64xi32, #tpu.memory_space<vmem>>, %arg6: memref<64x1024xf32, #tpu.memory_space<vmem>>, %arg7: memref<!tpu.dma_semaphore, #tpu.memory_space<semaphore_mem>>) attributes {dimension_semantics = [#tpu.dimension_semantics<core_parallel>, #tpu.dimension_semantics<subcore_parallel>], iteration_bounds = array<i64: 2, 16>, scalar_prefetch = 0 : i64, scratch_operands = 3 : i64, tpu.core_type = #tpu.core_type<sc_vector_subcore>, window_params = [{transform_indices = #map}, {transform_indices = #map1}, {transform_indices = #map}]} {
    %mul3A = arith.constant 2 : i32
    %mul3A_0 = arith.muli %arg1, %mul3A : i32
    %add3A = arith.addi %mul3A_0, %arg0 : i32
    %mul3A_1 = arith.constant 128 : i32
    %mul3A_2 = arith.muli %add3A, %mul3A_1 : i32
    "tpu.region"() ({
      %run_scoped3A = tpu.sem_alloc : memref<!tpu.dma_semaphore, #tpu.memory_space<semaphore_mem>>
      %dma_start3A_33 = arith.constant 0 : i32
      %dma_start3A_34 = arith.constant 0 : i32
      %dma_start3A_35 = tpu.memref_slice %arg3[%add3A, %dma_start3A_33, %dma_start3A_34] : memref<32x2x64xi32, #tpu.memory_space<hbm>> -> memref<1x2x64xi32, #tpu.memory_space<hbm>>
      %dma_start3A_36 = tpu.memref_squeeze %dma_start3A_35 : memref<1x2x64xi32, #tpu.memory_space<hbm>> -> memref<2x64xi32, #tpu.memory_space<hbm>>
      %dma_start3A_37 = arith.constant 0 : i32
      %dma_start3A_38 = arith.constant 0 : i32
      %dma_start3A_39 = tpu.memref_slice %arg3[%add3A, %dma_start3A_37, %dma_start3A_38] : memref<32x2x64xi32, #tpu.memory_space<hbm>> -> memref<1x2x64xi32, #tpu.memory_space<hbm>>
      %dma_start3A_40 = tpu.memref_squeeze %dma_start3A_39 : memref<1x2x64xi32, #tpu.memory_space<hbm>> -> memref<2x64xi32, #tpu.memory_space<hbm>>
      tpu.enqueue_dma source(%dma_start3A_40 : memref<2x64xi32, #tpu.memory_space<hbm>>) target(%arg5 : memref<2x64xi32, #tpu.memory_space<vmem>>) target_semaphore(%run_scoped3A : memref<!tpu.dma_semaphore, #tpu.memory_space<semaphore_mem>>)
      %dma_wait3A_41 = arith.constant 0 : i32
      %dma_wait3A_42 = arith.constant 0 : i32
      %dma_wait3A_43 = tpu.memref_slice %arg3[%add3A, %dma_wait3A_41, %dma_wait3A_42] : memref<32x2x64xi32, #tpu.memory_space<hbm>> -> memref<1x2x64xi32, #tpu.memory_space<hbm>>
      %dma_wait3A_44 = tpu.memref_squeeze %dma_wait3A_43 : memref<1x2x64xi32, #tpu.memory_space<hbm>> -> memref<2x64xi32, #tpu.memory_space<hbm>>
      %dma_wait3A_45 = arith.constant 0 : i32
      %dma_wait3A_46 = arith.constant 0 : i32
      %dma_wait3A_47 = tpu.memref_slice %arg3[%add3A, %dma_wait3A_45, %dma_wait3A_46] : memref<32x2x64xi32, #tpu.memory_space<hbm>> -> memref<1x2x64xi32, #tpu.memory_space<hbm>>
      %dma_wait3A_48 = tpu.memref_squeeze %dma_wait3A_47 : memref<1x2x64xi32, #tpu.memory_space<hbm>> -> memref<2x64xi32, #tpu.memory_space<hbm>>
      tpu.wait_dma2 semaphore(%run_scoped3A : memref<!tpu.dma_semaphore, #tpu.memory_space<semaphore_mem>>) src(%dma_wait3A_48 : memref<2x64xi32, #tpu.memory_space<hbm>>) dst(%arg5 : memref<2x64xi32, #tpu.memory_space<vmem>>)
      tpu.yield
    }) : () -> ()
    %dma_start3A = arith.constant 0 : i32
    %dma_start3A_3 = arith.constant 0 : i32
    %dma_start3A_4 = tpu.memref_slice %arg5[%dma_start3A, %dma_start3A_3] : memref<2x64xi32, #tpu.memory_space<vmem>> -> memref<1x64xi32, #tpu.memory_space<vmem>>
    %dma_start3A_5 = tpu.memref_squeeze %dma_start3A_4 : memref<1x64xi32, #tpu.memory_space<vmem>> -> memref<64xi32, #tpu.memory_space<vmem>>
    %dma_start3A_6 = arith.constant 0 : i32
    %dma_start3A_7 = arith.constant 0 : i32
    %dma_start3A_8 = tpu.memref_slice %arg2[%dma_start3A_6, %dma_start3A_7] : memref<4096x1024xf32, #tpu.memory_space<hbm>> -> memref<4096x1024xf32, #tpu.memory_space<hbm>>
    tpu.enqueue_indirect_dma source(%dma_start3A_8 : memref<4096x1024xf32, #tpu.memory_space<hbm>>) target(%arg6 : memref<64x1024xf32, #tpu.memory_space<vmem>>) offsets(%dma_start3A_5 : memref<64xi32, #tpu.memory_space<vmem>>) semaphore(%arg7 : memref<!tpu.dma_semaphore, #tpu.memory_space<semaphore_mem>>)
    %dma_wait3A = arith.constant 0 : i32
    %dma_wait3A_9 = arith.constant 0 : i32
    %dma_wait3A_10 = tpu.memref_slice %arg5[%dma_wait3A, %dma_wait3A_9] : memref<2x64xi32, #tpu.memory_space<vmem>> -> memref<1x64xi32, #tpu.memory_space<vmem>>
    %dma_wait3A_11 = tpu.memref_squeeze %dma_wait3A_10 : memref<1x64xi32, #tpu.memory_space<vmem>> -> memref<64xi32, #tpu.memory_space<vmem>>
    %dma_wait3A_12 = arith.constant 0 : i32
    %dma_wait3A_13 = arith.constant 0 : i32
    %dma_wait3A_14 = tpu.memref_slice %arg2[%dma_wait3A_12, %dma_wait3A_13] : memref<4096x1024xf32, #tpu.memory_space<hbm>> -> memref<4096x1024xf32, #tpu.memory_space<hbm>>
    tpu.wait_indirect_dma semaphore(%arg7 : memref<!tpu.dma_semaphore, #tpu.memory_space<semaphore_mem>>) src(%dma_wait3A_14 : memref<4096x1024xf32, #tpu.memory_space<hbm>>) dst(%arg6 : memref<64x1024xf32, #tpu.memory_space<vmem>>)
    %add3A_15 = arith.constant 0 : i32
    %add3A_16 = arith.addi %mul3A_2, %add3A_15 : i32
    "tpu.region"() ({
      %run_scoped3A = tpu.sem_alloc : memref<!tpu.dma_semaphore, #tpu.memory_space<semaphore_mem>>
      %dma_start3A_33 = arith.constant 0 : i32
      %dma_start3A_34 = tpu.memref_slice %arg4[%add3A_16, %dma_start3A_33] : memref<4096x1024xf32, #tpu.memory_space<hbm>> -> memref<64x1024xf32, #tpu.memory_space<hbm>>
      %dma_start3A_35 = arith.constant 0 : i32
      %dma_start3A_36 = tpu.memref_slice %arg4[%add3A_16, %dma_start3A_35] : memref<4096x1024xf32, #tpu.memory_space<hbm>> -> memref<64x1024xf32, #tpu.memory_space<hbm>>
      tpu.enqueue_dma source(%arg6 : memref<64x1024xf32, #tpu.memory_space<vmem>>) target(%dma_start3A_36 : memref<64x1024xf32, #tpu.memory_space<hbm>>) target_semaphore(%run_scoped3A : memref<!tpu.dma_semaphore, #tpu.memory_space<semaphore_mem>>)
      %dma_wait3A_37 = arith.constant 0 : i32
      %dma_wait3A_38 = tpu.memref_slice %arg4[%add3A_16, %dma_wait3A_37] : memref<4096x1024xf32, #tpu.memory_space<hbm>> -> memref<64x1024xf32, #tpu.memory_space<hbm>>
      %dma_wait3A_39 = arith.constant 0 : i32
      %dma_wait3A_40 = tpu.memref_slice %arg4[%add3A_16, %dma_wait3A_39] : memref<4096x1024xf32, #tpu.memory_space<hbm>> -> memref<64x1024xf32, #tpu.memory_space<hbm>>
      tpu.wait_dma2 semaphore(%run_scoped3A : memref<!tpu.dma_semaphore, #tpu.memory_space<semaphore_mem>>) src(%arg6 : memref<64x1024xf32, #tpu.memory_space<vmem>>) dst(%dma_wait3A_40 : memref<64x1024xf32, #tpu.memory_space<hbm>>)
      tpu.yield
    }) : () -> ()
    %dma_start3A_17 = arith.constant 1 : i32
    %dma_start3A_18 = arith.constant 0 : i32
    %dma_start3A_19 = tpu.memref_slice %arg5[%dma_start3A_17, %dma_start3A_18] : memref<2x64xi32, #tpu.memory_space<vmem>> -> memref<1x64xi32, #tpu.memory_space<vmem>>
    %dma_start3A_20 = tpu.memref_squeeze %dma_start3A_19 : memref<1x64xi32, #tpu.memory_space<vmem>> -> memref<64xi32, #tpu.memory_space<vmem>>
    %dma_start3A_21 = arith.constant 0 : i32
    %dma_start3A_22 = arith.constant 0 : i32
    %dma_start3A_23 = tpu.memref_slice %arg2[%dma_start3A_21, %dma_start3A_22] : memref<4096x1024xf32, #tpu.memory_space<hbm>> -> memref<4096x1024xf32, #tpu.memory_space<hbm>>
    tpu.enqueue_indirect_dma source(%dma_start3A_23 : memref<4096x1024xf32, #tpu.memory_space<hbm>>) target(%arg6 : memref<64x1024xf32, #tpu.memory_space<vmem>>) offsets(%dma_start3A_20 : memref<64xi32, #tpu.memory_space<vmem>>) semaphore(%arg7 : memref<!tpu.dma_semaphore, #tpu.memory_space<semaphore_mem>>)
    %dma_wait3A_24 = arith.constant 1 : i32
    %dma_wait3A_25 = arith.constant 0 : i32
    %dma_wait3A_26 = tpu.memref_slice %arg5[%dma_wait3A_24, %dma_wait3A_25] : memref<2x64xi32, #tpu.memory_space<vmem>> -> memref<1x64xi32, #tpu.memory_space<vmem>>
    %dma_wait3A_27 = tpu.memref_squeeze %dma_wait3A_26 : memref<1x64xi32, #tpu.memory_space<vmem>> -> memref<64xi32, #tpu.memory_space<vmem>>
    %dma_wait3A_28 = arith.constant 0 : i32
    %dma_wait3A_29 = arith.constant 0 : i32
    %dma_wait3A_30 = tpu.memref_slice %arg2[%dma_wait3A_28, %dma_wait3A_29] : memref<4096x1024xf32, #tpu.memory_space<hbm>> -> memref<4096x1024xf32, #tpu.memory_space<hbm>>
    tpu.wait_indirect_dma semaphore(%arg7 : memref<!tpu.dma_semaphore, #tpu.memory_space<semaphore_mem>>) src(%dma_wait3A_30 : memref<4096x1024xf32, #tpu.memory_space<hbm>>) dst(%arg6 : memref<64x1024xf32, #tpu.memory_space<vmem>>)
    %add3A_31 = arith.constant 64 : i32
    %add3A_32 = arith.addi %mul3A_2, %add3A_31 : i32
    "tpu.region"() ({
      %run_scoped3A = tpu.sem_alloc : memref<!tpu.dma_semaphore, #tpu.memory_space<semaphore_mem>>
      %dma_start3A_33 = arith.constant 0 : i32
      %dma_start3A_34 = tpu.memref_slice %arg4[%add3A_32, %dma_start3A_33] : memref<4096x1024xf32, #tpu.memory_space<hbm>> -> memref<64x1024xf32, #tpu.memory_space<hbm>>
      %dma_start3A_35 = arith.constant 0 : i32
      %dma_start3A_36 = tpu.memref_slice %arg4[%add3A_32, %dma_start3A_35] : memref<4096x1024xf32, #tpu.memory_space<hbm>> -> memref<64x1024xf32, #tpu.memory_space<hbm>>
      tpu.enqueue_dma source(%arg6 : memref<64x1024xf32, #tpu.memory_space<vmem>>) target(%dma_start3A_36 : memref<64x1024xf32, #tpu.memory_space<hbm>>) target_semaphore(%run_scoped3A : memref<!tpu.dma_semaphore, #tpu.memory_space<semaphore_mem>>)
      %dma_wait3A_37 = arith.constant 0 : i32
      %dma_wait3A_38 = tpu.memref_slice %arg4[%add3A_32, %dma_wait3A_37] : memref<4096x1024xf32, #tpu.memory_space<hbm>> -> memref<64x1024xf32, #tpu.memory_space<hbm>>
      %dma_wait3A_39 = arith.constant 0 : i32
      %dma_wait3A_40 = tpu.memref_slice %arg4[%add3A_32, %dma_wait3A_39] : memref<4096x1024xf32, #tpu.memory_space<hbm>> -> memref<64x1024xf32, #tpu.memory_space<hbm>>
      tpu.wait_dma2 semaphore(%run_scoped3A : memref<!tpu.dma_semaphore, #tpu.memory_space<semaphore_mem>>) src(%arg6 : memref<64x1024xf32, #tpu.memory_space<vmem>>) dst(%dma_wait3A_40 : memref<64x1024xf32, #tpu.memory_space<hbm>>)
      tpu.yield
    }) : () -> ()
    return
  }
}

#map = affine_map<(d0, d1) -> (0, 0)>
#map1 = affine_map<(d0, d1) -> (0, 0, 0)>
module attributes {stable_mosaic.version = 14 : i64} {
  func.func @gk(%arg0: i32, %arg1: i32, %arg2: memref<2048x1024xf32, #tpu.memory_space<hbm>>, %arg3: memref<32x2x64xi32, #tpu.memory_space<hbm>>, %arg4: memref<4096x1024xf32, #tpu.memory_space<hbm>>, %arg5: memref<2x64xi32, #tpu.memory_space<vmem>>, %arg6: memref<64x1024xf32, #tpu.memory_space<vmem>>, %arg7: memref<!tpu.dma_semaphore, #tpu.memory_space<semaphore_mem>>) attributes {dimension_semantics = [#tpu.dimension_semantics<core_parallel>, #tpu.dimension_semantics<subcore_parallel>], iteration_bounds = array<i64: 2, 16>, scalar_prefetch = 0 : i64, scratch_operands = 3 : i64, tpu.core_type = #tpu.core_type<sc_vector_subcore>, window_params = [{transform_indices = #map}, {transform_indices = #map1}, {transform_indices = #map}]} {
    %mul3A = arith.constant 2 : i32
    %mul3A_0 = arith.muli %arg1, %mul3A : i32
    %add3A = arith.addi %mul3A_0, %arg0 : i32
    %mul3A_1 = arith.constant 128 : i32
    %mul3A_2 = arith.muli %add3A, %mul3A_1 : i32
    "tpu.region"() ({
      %run_scoped3A = tpu.sem_alloc : memref<!tpu.dma_semaphore, #tpu.memory_space<semaphore_mem>>
      %dma_start3A_33 = arith.constant 0 : i32
      %dma_start3A_34 = arith.constant 0 : i32
      %dma_start3A_35 = tpu.memref_slice %arg3[%add3A, %dma_start3A_33, %dma_start3A_34] : memref<32x2x64xi32, #tpu.memory_space<hbm>> -> memref<1x2x64xi32, #tpu.memory_space<hbm>>
      %dma_start3A_36 = tpu.memref_squeeze %dma_start3A_35 : memref<1x2x64xi32, #tpu.memory_space<hbm>> -> memref<2x64xi32, #tpu.memory_space<hbm>>
      %dma_start3A_37 = arith.constant 0 : i32
      %dma_start3A_38 = arith.constant 0 : i32
      %dma_start3A_39 = tpu.memref_slice %arg3[%add3A, %dma_start3A_37, %dma_start3A_38] : memref<32x2x64xi32, #tpu.memory_space<hbm>> -> memref<1x2x64xi32, #tpu.memory_space<hbm>>
      %dma_start3A_40 = tpu.memref_squeeze %dma_start3A_39 : memref<1x2x64xi32, #tpu.memory_space<hbm>> -> memref<2x64xi32, #tpu.memory_space<hbm>>
      tpu.enqueue_dma source(%dma_start3A_40 : memref<2x64xi32, #tpu.memory_space<hbm>>) target(%arg5 : memref<2x64xi32, #tpu.memory_space<vmem>>) target_semaphore(%run_scoped3A : memref<!tpu.dma_semaphore, #tpu.memory_space<semaphore_mem>>)
      %dma_wait3A_41 = arith.constant 0 : i32
      %dma_wait3A_42 = arith.constant 0 : i32
      %dma_wait3A_43 = tpu.memref_slice %arg3[%add3A, %dma_wait3A_41, %dma_wait3A_42] : memref<32x2x64xi32, #tpu.memory_space<hbm>> -> memref<1x2x64xi32, #tpu.memory_space<hbm>>
      %dma_wait3A_44 = tpu.memref_squeeze %dma_wait3A_43 : memref<1x2x64xi32, #tpu.memory_space<hbm>> -> memref<2x64xi32, #tpu.memory_space<hbm>>
      %dma_wait3A_45 = arith.constant 0 : i32
      %dma_wait3A_46 = arith.constant 0 : i32
      %dma_wait3A_47 = tpu.memref_slice %arg3[%add3A, %dma_wait3A_45, %dma_wait3A_46] : memref<32x2x64xi32, #tpu.memory_space<hbm>> -> memref<1x2x64xi32, #tpu.memory_space<hbm>>
      %dma_wait3A_48 = tpu.memref_squeeze %dma_wait3A_47 : memref<1x2x64xi32, #tpu.memory_space<hbm>> -> memref<2x64xi32, #tpu.memory_space<hbm>>
      tpu.wait_dma2 semaphore(%run_scoped3A : memref<!tpu.dma_semaphore, #tpu.memory_space<semaphore_mem>>) src(%dma_wait3A_48 : memref<2x64xi32, #tpu.memory_space<hbm>>) dst(%arg5 : memref<2x64xi32, #tpu.memory_space<vmem>>)
      tpu.yield
    }) : () -> ()
    %dma_start3A = arith.constant 0 : i32
    %dma_start3A_3 = arith.constant 0 : i32
    %dma_start3A_4 = tpu.memref_slice %arg5[%dma_start3A, %dma_start3A_3] : memref<2x64xi32, #tpu.memory_space<vmem>> -> memref<1x64xi32, #tpu.memory_space<vmem>>
    %dma_start3A_5 = tpu.memref_squeeze %dma_start3A_4 : memref<1x64xi32, #tpu.memory_space<vmem>> -> memref<64xi32, #tpu.memory_space<vmem>>
    %dma_start3A_6 = arith.constant 0 : i32
    %dma_start3A_7 = arith.constant 0 : i32
    %dma_start3A_8 = tpu.memref_slice %arg2[%dma_start3A_6, %dma_start3A_7] : memref<2048x1024xf32, #tpu.memory_space<hbm>> -> memref<2048x1024xf32, #tpu.memory_space<hbm>>
    tpu.enqueue_indirect_dma source(%dma_start3A_8 : memref<2048x1024xf32, #tpu.memory_space<hbm>>) target(%arg6 : memref<64x1024xf32, #tpu.memory_space<vmem>>) offsets(%dma_start3A_5 : memref<64xi32, #tpu.memory_space<vmem>>) semaphore(%arg7 : memref<!tpu.dma_semaphore, #tpu.memory_space<semaphore_mem>>)
    %dma_wait3A = arith.constant 0 : i32
    %dma_wait3A_9 = arith.constant 0 : i32
    %dma_wait3A_10 = tpu.memref_slice %arg5[%dma_wait3A, %dma_wait3A_9] : memref<2x64xi32, #tpu.memory_space<vmem>> -> memref<1x64xi32, #tpu.memory_space<vmem>>
    %dma_wait3A_11 = tpu.memref_squeeze %dma_wait3A_10 : memref<1x64xi32, #tpu.memory_space<vmem>> -> memref<64xi32, #tpu.memory_space<vmem>>
    %dma_wait3A_12 = arith.constant 0 : i32
    %dma_wait3A_13 = arith.constant 0 : i32
    %dma_wait3A_14 = tpu.memref_slice %arg2[%dma_wait3A_12, %dma_wait3A_13] : memref<2048x1024xf32, #tpu.memory_space<hbm>> -> memref<2048x1024xf32, #tpu.memory_space<hbm>>
    tpu.wait_indirect_dma semaphore(%arg7 : memref<!tpu.dma_semaphore, #tpu.memory_space<semaphore_mem>>) src(%dma_wait3A_14 : memref<2048x1024xf32, #tpu.memory_space<hbm>>) dst(%arg6 : memref<64x1024xf32, #tpu.memory_space<vmem>>)
    %add3A_15 = arith.constant 0 : i32
    %add3A_16 = arith.addi %mul3A_2, %add3A_15 : i32
    "tpu.region"() ({
      %run_scoped3A = tpu.sem_alloc : memref<!tpu.dma_semaphore, #tpu.memory_space<semaphore_mem>>
      %dma_start3A_33 = arith.constant 0 : i32
      %dma_start3A_34 = tpu.memref_slice %arg4[%add3A_16, %dma_start3A_33] : memref<4096x1024xf32, #tpu.memory_space<hbm>> -> memref<64x1024xf32, #tpu.memory_space<hbm>>
      %dma_start3A_35 = arith.constant 0 : i32
      %dma_start3A_36 = tpu.memref_slice %arg4[%add3A_16, %dma_start3A_35] : memref<4096x1024xf32, #tpu.memory_space<hbm>> -> memref<64x1024xf32, #tpu.memory_space<hbm>>
      tpu.enqueue_dma source(%arg6 : memref<64x1024xf32, #tpu.memory_space<vmem>>) target(%dma_start3A_36 : memref<64x1024xf32, #tpu.memory_space<hbm>>) target_semaphore(%run_scoped3A : memref<!tpu.dma_semaphore, #tpu.memory_space<semaphore_mem>>)
      %dma_wait3A_37 = arith.constant 0 : i32
      %dma_wait3A_38 = tpu.memref_slice %arg4[%add3A_16, %dma_wait3A_37] : memref<4096x1024xf32, #tpu.memory_space<hbm>> -> memref<64x1024xf32, #tpu.memory_space<hbm>>
      %dma_wait3A_39 = arith.constant 0 : i32
      %dma_wait3A_40 = tpu.memref_slice %arg4[%add3A_16, %dma_wait3A_39] : memref<4096x1024xf32, #tpu.memory_space<hbm>> -> memref<64x1024xf32, #tpu.memory_space<hbm>>
      tpu.wait_dma2 semaphore(%run_scoped3A : memref<!tpu.dma_semaphore, #tpu.memory_space<semaphore_mem>>) src(%arg6 : memref<64x1024xf32, #tpu.memory_space<vmem>>) dst(%dma_wait3A_40 : memref<64x1024xf32, #tpu.memory_space<hbm>>)
      tpu.yield
    }) : () -> ()
    %dma_start3A_17 = arith.constant 1 : i32
    %dma_start3A_18 = arith.constant 0 : i32
    %dma_start3A_19 = tpu.memref_slice %arg5[%dma_start3A_17, %dma_start3A_18] : memref<2x64xi32, #tpu.memory_space<vmem>> -> memref<1x64xi32, #tpu.memory_space<vmem>>
    %dma_start3A_20 = tpu.memref_squeeze %dma_start3A_19 : memref<1x64xi32, #tpu.memory_space<vmem>> -> memref<64xi32, #tpu.memory_space<vmem>>
    %dma_start3A_21 = arith.constant 0 : i32
    %dma_start3A_22 = arith.constant 0 : i32
    %dma_start3A_23 = tpu.memref_slice %arg2[%dma_start3A_21, %dma_start3A_22] : memref<2048x1024xf32, #tpu.memory_space<hbm>> -> memref<2048x1024xf32, #tpu.memory_space<hbm>>
    tpu.enqueue_indirect_dma source(%dma_start3A_23 : memref<2048x1024xf32, #tpu.memory_space<hbm>>) target(%arg6 : memref<64x1024xf32, #tpu.memory_space<vmem>>) offsets(%dma_start3A_20 : memref<64xi32, #tpu.memory_space<vmem>>) semaphore(%arg7 : memref<!tpu.dma_semaphore, #tpu.memory_space<semaphore_mem>>)
    %dma_wait3A_24 = arith.constant 1 : i32
    %dma_wait3A_25 = arith.constant 0 : i32
    %dma_wait3A_26 = tpu.memref_slice %arg5[%dma_wait3A_24, %dma_wait3A_25] : memref<2x64xi32, #tpu.memory_space<vmem>> -> memref<1x64xi32, #tpu.memory_space<vmem>>
    %dma_wait3A_27 = tpu.memref_squeeze %dma_wait3A_26 : memref<1x64xi32, #tpu.memory_space<vmem>> -> memref<64xi32, #tpu.memory_space<vmem>>
    %dma_wait3A_28 = arith.constant 0 : i32
    %dma_wait3A_29 = arith.constant 0 : i32
    %dma_wait3A_30 = tpu.memref_slice %arg2[%dma_wait3A_28, %dma_wait3A_29] : memref<2048x1024xf32, #tpu.memory_space<hbm>> -> memref<2048x1024xf32, #tpu.memory_space<hbm>>
    tpu.wait_indirect_dma semaphore(%arg7 : memref<!tpu.dma_semaphore, #tpu.memory_space<semaphore_mem>>) src(%dma_wait3A_30 : memref<2048x1024xf32, #tpu.memory_space<hbm>>) dst(%arg6 : memref<64x1024xf32, #tpu.memory_space<vmem>>)
    %add3A_31 = arith.constant 64 : i32
    %add3A_32 = arith.addi %mul3A_2, %add3A_31 : i32
    "tpu.region"() ({
      %run_scoped3A = tpu.sem_alloc : memref<!tpu.dma_semaphore, #tpu.memory_space<semaphore_mem>>
      %dma_start3A_33 = arith.constant 0 : i32
      %dma_start3A_34 = tpu.memref_slice %arg4[%add3A_32, %dma_start3A_33] : memref<4096x1024xf32, #tpu.memory_space<hbm>> -> memref<64x1024xf32, #tpu.memory_space<hbm>>
      %dma_start3A_35 = arith.constant 0 : i32
      %dma_start3A_36 = tpu.memref_slice %arg4[%add3A_32, %dma_start3A_35] : memref<4096x1024xf32, #tpu.memory_space<hbm>> -> memref<64x1024xf32, #tpu.memory_space<hbm>>
      tpu.enqueue_dma source(%arg6 : memref<64x1024xf32, #tpu.memory_space<vmem>>) target(%dma_start3A_36 : memref<64x1024xf32, #tpu.memory_space<hbm>>) target_semaphore(%run_scoped3A : memref<!tpu.dma_semaphore, #tpu.memory_space<semaphore_mem>>)
      %dma_wait3A_37 = arith.constant 0 : i32
      %dma_wait3A_38 = tpu.memref_slice %arg4[%add3A_32, %dma_wait3A_37] : memref<4096x1024xf32, #tpu.memory_space<hbm>> -> memref<64x1024xf32, #tpu.memory_space<hbm>>
      %dma_wait3A_39 = arith.constant 0 : i32
      %dma_wait3A_40 = tpu.memref_slice %arg4[%add3A_32, %dma_wait3A_39] : memref<4096x1024xf32, #tpu.memory_space<hbm>> -> memref<64x1024xf32, #tpu.memory_space<hbm>>
      tpu.wait_dma2 semaphore(%run_scoped3A : memref<!tpu.dma_semaphore, #tpu.memory_space<semaphore_mem>>) src(%arg6 : memref<64x1024xf32, #tpu.memory_space<vmem>>) dst(%dma_wait3A_40 : memref<64x1024xf32, #tpu.memory_space<hbm>>)
      tpu.yield
    }) : () -> ()
    return
  }
}

module attributes {stable_mosaic.version = 14 : i64} {
  func.func @_ffn_body(%arg0: i32, %arg1: i32, %arg2: memref<15xi32, #tpu.memory_space<smem>>, %arg3: memref<15xi32, #tpu.memory_space<smem>>, %arg4: memref<15xi32, #tpu.memory_space<smem>>, %arg5: memref<15xi32, #tpu.memory_space<smem>>, %arg6: memref<512x1024xf32, #tpu.memory_space<vmem>>, %arg7: memref<1x512x1024xf32, #tpu.memory_space<vmem>>, %arg8: memref<1x512x1024xf32, #tpu.memory_space<vmem>>, %arg9: memref<1x1024x512xf32, #tpu.memory_space<vmem>>, %arg10: memref<512x1024xf32, #tpu.memory_space<vmem>>) attributes {dimension_semantics = [#tpu.dimension_semantics<arbitrary>, #tpu.dimension_semantics<arbitrary>], iteration_bounds = array<i64: 15, 4>, scalar_prefetch = 4 : i64, scratch_operands = 0 : i64, tpu.core_type = #tpu.core_type<tc>, window_params = [{transform_indices = @transform_0, window_bounds = array<i64: 512, 1024>}, {transform_indices = @transform_1, window_bounds = array<i64: 1, 512, 1024>}, {transform_indices = @transform_2, window_bounds = array<i64: 1, 512, 1024>}, {transform_indices = @transform_3, window_bounds = array<i64: 1, 1024, 512>}, {transform_indices = @transform_4, window_bounds = array<i64: 512, 1024>}]} {
    %sub3A = arith.constant 1 : i32
    %sub3A_0 = arith.subi %arg0, %sub3A : i32
    %max3A = arith.constant 0 : i32
    %max3A_1 = arith.maxsi %sub3A_0, %max3A : i32
    %eq3A = arith.constant 0 : i32
    %eq3A_2 = arith.cmpi eq, %arg1, %eq3A : i32
    %eq3A_3 = arith.constant 0 : i32
    %eq3A_4 = arith.cmpi eq, %arg0, %eq3A_3 : i32
    %get3A = arith.index_cast %arg0 : i32 to index
    %get3A_5 = memref.load %arg3[%get3A] : memref<15xi32, #tpu.memory_space<smem>>
    %get3A_6 = arith.index_cast %max3A_1 : i32 to index
    %get3A_7 = memref.load %arg3[%get3A_6] : memref<15xi32, #tpu.memory_space<smem>>
    %ne3A = arith.cmpi ne, %get3A_5, %get3A_7 : i32
    %or3A = arith.ori %eq3A_4, %ne3A : i1
    %and3A = arith.andi %eq3A_2, %or3A : i1
    %convert_element_type3A = arith.extui %and3A : i1 to i32
    %cond3A = arith.constant 0 : i32
    %cond3A_8 = arith.cmpi ne, %convert_element_type3A, %cond3A : i32
    scf.if %cond3A_8 {
      %broadcast_in_dim3A = arith.constant 0.000000e+00 : f32
      %broadcast_in_dim3A_16 = vector.broadcast %broadcast_in_dim3A : f32 to vector<512x1024xf32>
      %swap3A = arith.constant 0 : index
      %swap3A_17 = arith.constant 0 : index
      %swap3A_18 = vector.load %arg10[%swap3A, %swap3A_17] : memref<512x1024xf32, #tpu.memory_space<vmem>>, vector<512x1024xf32>
      tpu.vector_store %arg10[%swap3A, %swap3A_17], %broadcast_in_dim3A_16 {strides = array<i32>} : memref<512x1024xf32, #tpu.memory_space<vmem>>, vector<512x1024xf32>,
    } else {
    }
    %get3A_9 = arith.index_cast %arg0 : i32 to index
    %get3A_10 = memref.load %arg4[%get3A_9] : memref<15xi32, #tpu.memory_space<smem>>
    %get3A_11 = arith.index_cast %arg0 : i32 to index
    %get3A_12 = memref.load %arg5[%get3A_11] : memref<15xi32, #tpu.memory_space<smem>>
    %gt3A = arith.cmpi sgt, %get3A_12, %get3A_10 : i32
    %convert_element_type3A_13 = arith.extui %gt3A : i1 to i32
    %cond3A_14 = arith.constant 0 : i32
    %cond3A_15 = arith.cmpi ne, %convert_element_type3A_13, %cond3A_14 : i32
    scf.if %cond3A_15 {
      %get3A_16 = arith.constant 0 : index
      %get3A_17 = arith.constant 0 : index
      %get3A_18 = vector.load %arg6[%get3A_16, %get3A_17] : memref<512x1024xf32, #tpu.memory_space<vmem>>, vector<512x1024xf32>
      %convert_element_type3A_19 = arith.truncf %get3A_18 : vector<512x1024xf32> to vector<512x1024xbf16>
      %get3A_20 = arith.constant 0 : index
      %get3A_21 = arith.constant 0 : index
      %get3A_22 = arith.constant 0 : index
      %get3A_23 = vector.load %arg7[%get3A_20, %get3A_21, %get3A_22] : memref<1x512x1024xf32, #tpu.memory_space<vmem>>, vector<1x512x1024xf32>
      %get3A_24 = vector.shape_cast %get3A_23 : vector<1x512x1024xf32> to vector<512x1024xf32>
      %convert_element_type3A_25 = arith.truncf %get3A_24 : vector<512x1024xf32> to vector<512x1024xbf16>
      %get3A_26 = arith.constant 0 : index
      %get3A_27 = arith.constant 0 : index
      %get3A_28 = arith.constant 0 : index
      %get3A_29 = vector.load %arg8[%get3A_26, %get3A_27, %get3A_28] : memref<1x512x1024xf32, #tpu.memory_space<vmem>>, vector<1x512x1024xf32>
      %get3A_30 = vector.shape_cast %get3A_29 : vector<1x512x1024xf32> to vector<512x1024xf32>
      %convert_element_type3A_31 = arith.truncf %get3A_30 : vector<512x1024xf32> to vector<512x1024xbf16>
      %get3A_32 = arith.constant 0 : index
      %get3A_33 = arith.constant 0 : index
      %get3A_34 = arith.constant 0 : index
      %get3A_35 = vector.load %arg9[%get3A_32, %get3A_33, %get3A_34] : memref<1x1024x512xf32, #tpu.memory_space<vmem>>, vector<1x1024x512xf32>
      %get3A_36 = vector.shape_cast %get3A_35 : vector<1x1024x512xf32> to vector<1024x512xf32>
      %convert_element_type3A_37 = arith.truncf %get3A_36 : vector<1024x512xf32> to vector<1024x512xbf16>
      %dot_general3A = arith.constant dense<0.000000e+00> : vector<512x512xf32>
      %dot_general3A_38 = tpu.matmul %convert_element_type3A_19, %convert_element_type3A_25, %dot_general3A {dimension_numbers = #tpu.dot_dimension_numbers<[1], [1], [0], [0], [0, 0, 1, 0], [], []>, transpose_lhs_hint = false} : vector<512x1024xbf16>, vector<512x1024xbf16>, vector<512x512xf32> -> vector<512x512xf32>
      %dot_general3A_39 = arith.constant dense<0.000000e+00> : vector<512x512xf32>
      %dot_general3A_40 = tpu.matmul %convert_element_type3A_19, %convert_element_type3A_31, %dot_general3A_39 {dimension_numbers = #tpu.dot_dimension_numbers<[1], [1], [0], [0], [0, 0, 1, 0], [], []>, transpose_lhs_hint = false} : vector<512x1024xbf16>, vector<512x1024xbf16>, vector<512x512xf32> -> vector<512x512xf32>
      %neg3A = arith.constant 0.000000e+00 : f32
      %neg3A_41 = vector.broadcast %neg3A : f32 to vector<512x512xf32>
      %neg3A_42 = arith.subf %neg3A_41, %dot_general3A_38 : vector<512x512xf32>
      %exp3A = math.exp %neg3A_42 : vector<512x512xf32>
      %add3A = arith.constant 1.000000e+00 : f32
      %add3A_43 = vector.broadcast %add3A : f32 to vector<512x512xf32>
      %add3A_44 = arith.addf %add3A_43, %exp3A : vector<512x512xf32>
      %div3A = arith.constant 1.000000e+00 : f32
      %div3A_45 = vector.broadcast %div3A : f32 to vector<512x512xf32>
      %div3A_46 = arith.divf %div3A_45, %add3A_44 : vector<512x512xf32>
      %mul3A = arith.mulf %dot_general3A_38, %div3A_46 : vector<512x512xf32>
      %mul3A_47 = arith.mulf %mul3A, %dot_general3A_40 : vector<512x512xf32>
      %convert_element_type3A_48 = arith.truncf %mul3A_47 : vector<512x512xf32> to vector<512x512xbf16>
      %dot_general3A_49 = arith.constant dense<0.000000e+00> : vector<512x1024xf32>
      %dot_general3A_50 = tpu.matmul %convert_element_type3A_48, %convert_element_type3A_37, %dot_general3A_49 {dimension_numbers = #tpu.dot_dimension_numbers<[1], [1], [0], [0], [0, 0, 1, 0], [], []>, transpose_lhs_hint = false} : vector<512x512xbf16>, vector<1024x512xbf16>, vector<512x1024xf32> -> vector<512x1024xf32>
      %get3A_51 = arith.index_cast %arg0 : i32 to index
      %get3A_52 = memref.load %arg3[%get3A_51] : memref<15xi32, #tpu.memory_space<smem>>
      %mul3A_53 = arith.constant 512 : i32
      %mul3A_54 = arith.muli %get3A_52, %mul3A_53 : i32
      %iota3A = tpu.iota {dimensions = array<i32: 0>} : vector<512x1xi32>
      %add3A_55 = vector.broadcast %mul3A_54 : i32 to vector<512x1xi32>
      %add3A_56 = arith.addi %add3A_55, %iota3A : vector<512x1xi32>
      %ge3A = vector.broadcast %get3A_10 : i32 to vector<512x1xi32>
      %ge3A_57 = arith.cmpi sge, %add3A_56, %ge3A : vector<512x1xi32>
      %lt3A = vector.broadcast %get3A_12 : i32 to vector<512x1xi32>
      %lt3A_58 = arith.cmpi slt, %add3A_56, %lt3A : vector<512x1xi32>
      %and3A_59 = arith.andi %ge3A_57, %lt3A_58 : vector<512x1xi1>
      %get3A_60 = arith.constant 0 : index
      %get3A_61 = arith.constant 0 : index
      %get3A_62 = vector.load %arg10[%get3A_60, %get3A_61] : memref<512x1024xf32, #tpu.memory_space<vmem>>, vector<512x1024xf32>
      %jit3A = arith.constant 0.000000e+00 : f32
      %broadcast_in_dim3A = vector.shape_cast %and3A_59 : vector<512x1xi1> to vector<512x1xi1>
      %broadcast_in_dim3A_63 = vector.broadcast %broadcast_in_dim3A : vector<512x1xi1> to vector<512x1024xi1>
      %broadcast_in_dim3A_64 = vector.broadcast %jit3A : f32 to vector<512x1024xf32>
      %select_n3A = arith.select %broadcast_in_dim3A_63, %dot_general3A_50, %broadcast_in_dim3A_64 : vector<512x1024xi1>, vector<512x1024xf32>
      %add3A_65 = arith.addf %get3A_62, %select_n3A : vector<512x1024xf32>
      %swap3A = arith.constant 0 : index
      %swap3A_66 = arith.constant 0 : index
      %swap3A_67 = vector.load %arg10[%swap3A, %swap3A_66] : memref<512x1024xf32, #tpu.memory_space<vmem>>, vector<512x1024xf32>
      tpu.vector_store %arg10[%swap3A, %swap3A_66], %add3A_65 {strides = array<i32>} : memref<512x1024xf32, #tpu.memory_space<vmem>>, vector<512x1024xf32>,
    } else {
    }
    return
  }
  func.func @transform_0(%arg0: i32, %arg1: i32, %arg2: memref<15xi32, #tpu.memory_space<smem>>, %arg3: memref<15xi32, #tpu.memory_space<smem>>, %arg4: memref<15xi32, #tpu.memory_space<smem>>, %arg5: memref<15xi32, #tpu.memory_space<smem>>) -> (i32, i32) {
    %get3A = arith.index_cast %arg0 : i32 to index
    %get3A_0 = memref.load %arg3[%get3A] : memref<15xi32, #tpu.memory_space<smem>>
    %c0_i32 = arith.constant 0 : i32
    %c0_i32_1 = arith.constant 0 : i32
    return %get3A_0, %c0_i32 : i32, i32
  }
  func.func @transform_1(%arg0: i32, %arg1: i32, %arg2: memref<15xi32, #tpu.memory_space<smem>>, %arg3: memref<15xi32, #tpu.memory_space<smem>>, %arg4: memref<15xi32, #tpu.memory_space<smem>>, %arg5: memref<15xi32, #tpu.memory_space<smem>>) -> (i32, i32, i32) {
    %get3A = arith.index_cast %arg0 : i32 to index
    %get3A_0 = memref.load %arg2[%get3A] : memref<15xi32, #tpu.memory_space<smem>>
    %c0_i32 = arith.constant 0 : i32
    %c0_i32_1 = arith.constant 0 : i32
    return %get3A_0, %arg1, %c0_i32 : i32, i32, i32
  }
  func.func @transform_2(%arg0: i32, %arg1: i32, %arg2: memref<15xi32, #tpu.memory_space<smem>>, %arg3: memref<15xi32, #tpu.memory_space<smem>>, %arg4: memref<15xi32, #tpu.memory_space<smem>>, %arg5: memref<15xi32, #tpu.memory_space<smem>>) -> (i32, i32, i32) {
    %get3A = arith.index_cast %arg0 : i32 to index
    %get3A_0 = memref.load %arg2[%get3A] : memref<15xi32, #tpu.memory_space<smem>>
    %add3A = arith.constant 4 : i32
    %add3A_1 = arith.addi %arg1, %add3A : i32
    %c0_i32 = arith.constant 0 : i32
    %c0_i32_2 = arith.constant 0 : i32
    return %get3A_0, %add3A_1, %c0_i32 : i32, i32, i32
  }
  func.func @transform_3(%arg0: i32, %arg1: i32, %arg2: memref<15xi32, #tpu.memory_space<smem>>, %arg3: memref<15xi32, #tpu.memory_space<smem>>, %arg4: memref<15xi32, #tpu.memory_space<smem>>, %arg5: memref<15xi32, #tpu.memory_space<smem>>) -> (i32, i32, i32) {
    %get3A = arith.index_cast %arg0 : i32 to index
    %get3A_0 = memref.load %arg2[%get3A] : memref<15xi32, #tpu.memory_space<smem>>
    %c0_i32 = arith.constant 0 : i32
    %c0_i32_1 = arith.constant 0 : i32
    return %get3A_0, %c0_i32, %arg1 : i32, i32, i32
  }
  func.func @transform_4(%arg0: i32, %arg1: i32, %arg2: memref<15xi32, #tpu.memory_space<smem>>, %arg3: memref<15xi32, #tpu.memory_space<smem>>, %arg4: memref<15xi32, #tpu.memory_space<smem>>, %arg5: memref<15xi32, #tpu.memory_space<smem>>) -> (i32, i32) {
    %get3A = arith.index_cast %arg0 : i32 to index
    %get3A_0 = memref.load %arg3[%get3A] : memref<15xi32, #tpu.memory_space<smem>>
    %c0_i32 = arith.constant 0 : i32
    %c0_i32_1 = arith.constant 0 : i32
    return %get3A_0, %c0_i32 : i32, i32
  }
}

</mosaic_0001>

<sc_bundles>
// kernel: kernel.5.cloned.1.call-start
scs
__scs_entry_jumppad:
0x0: {  	(pc) =	sbr.rel $0x88, $3  }
0x1: {  	(tag) =	ssettag $0x0;
	lr =	simm.s32 $0x1  }
0x2: {  	[smem:$0x3F9D] =	sst lr;
	_ =	strace $0xD0000000  }
0x3: {  	_ = 	snop  }
0x4: {  	_ = 	snop  }
0x5: {  	_ = 	snop  }
0x6: {  	_ = 	snop  }
0x7: {  	_ = 	snop  }
__scs_overlays_trampoline_lowered:
0x8: {  	[smem:$0x3FAC] =	sst s0  }
0x9: {  	[smem:$0x3FAD] =	sst s1  }
0xa: {  	[smem:$0x3FAE] =	sst s2  }
0xb: {  	[smem:$0x3FAF] =	sst s3  }
0xc: {  	[smem:$0x3FB0] =	sst s4  }
0xd: {  	[smem:$0x3FB1] =	sst s5  }
0xe: {  	[smem:$0x3FB2] =	sst s6  }
0xf: {  	[smem:$0x3FB3] =	sst s7  }
0x10: {  	[smem:$0x3FB4] =	sst s8  }
0x11: {  	[smem:$0x3FB5] =	sst s9;
	s0 =	simm.s32 @!p0 $0x0  }
0x12: {  	s1 =	sld [smem:$0x3F9B];
	s0 =	simm.s32 @p0 $0x1  }
0x13: {  	[smem:$0x3FB6] =	sst s0;
	s0 =	simm.s32 @!p1 $0x0  }
0x14: {  	s2 =	sld [smem:$0x3F9A];
	s0 =	simm.s32 @p1 $0x1  }
0x15: {  	[smem:$0x3FB7] =	sst s0;
	s0 =	simm.s32 @!p2 $0x0  }
0x16: {  	s3 =	sld [smem:$0x3FDB];
	s0 =	simm.s32 @p2 $0x1  }
0x17: {  	s4 =	simm.s32 $0x1BF5;
	[smem:$0x3FB9] =	sst s0  }
0x18: {  	s0 =	sld [smem:$0x3F9C];
	_ =	swait.ge [sflag:s4], $0x0  }
0x19: {  	s7 =	sld [smem:$0x3F9D]  }
0x1a: {  	s8 =	sadd.s32 $0xFFFFE003, lr  }
0x1b: {  	s9 =	sadd.s32 $0xFFFFFEF7, lr;
	s5 =	simm.s32 $0xFFFFFFFF;
	p2 =	slt.u32 s8, $0xFFFFF086  }
0x1c: {  	p1 =	slt.u32 s9, $0xF7A;
	s5 =	simm.s32 @!p2 $0x0  }
0x1d: {  	s5 =	simm.s32 @p1 $0x1;
	p0 =	seq.s32 s7, s2  }
0x1e: {  	s7 =	smul.u32 @!p0 $0xF7A, s2;
	p2 =	seq.s32 @!p0 s5, $0x0  }
0x1f: {  	s9 =	smul.u32 $0xF7A, s1;
	s8 =	simm.s32 @!p0 $0x1BF5;
	p2 =	por !p2, p0  }
0x20: {  	[sflag:s8] =	ssyncset.s32 @!p0 $0xFFFFF086;
	s6 =	sadd.s32 @!p0 s3, s7;
	s7 =	simm.s32 @!p0 $0x108  }
0x21: {  	s3 =	sadd.s32 s3, s9;
	s6 =	sadd.s32 @!p0 $0x88, s6;
	s7 =	simm.s32 @p2 $0x1082  }
0x22: {  	[simem:s7], [sflag:s8] =	dma.local @!p0 [hbm:s6], $0xF7A  }
0x23: {  	s9 =	sor.u32 $0xD0000000, s2;
	s6 =	simm.s32 $0x108;
	_ =	swait.ge @!p0 [sflag:s8], $0x0  }
0x24: {  	s3 =	sadd.s32 $0x88, s3;
	s6 =	simm.s32 @!p1 $0x1082;
	[sflag:s4] =	ssyncset.s32 $0xFFFFF086  }
0x25: {  	[simem:s6], [sflag:s4] =	dma.local [hbm:s3], $0xF7A  }
0x26: {  	[smem:$0x3F9D] =	sst s1;
	(tag) =	ssettag s2;
	_ =	strace s9  }
0x27: {  	s1 =	sld [smem:$0x3FAD]  }
0x28: {  	s2 =	sld [smem:$0x3FAE]  }
0x29: {  	s4 =	sld [smem:$0x3FB0]  }
0x2a: {  	p0 =	seq.s32 s5, $0x0;
	s5 =	sld [smem:$0x3FB1]  }
0x2b: {  	s6 =	sld [smem:$0x3FB2]  }
0x2c: {  	s7 =	sld [smem:$0x3FB3]  }
0x2d: {  	s3 =	simm.s32 $0x108;
	s8 =	sld [smem:$0x3FB4]  }
0x2e: {  	s3 =	simm.s32 @!p0 $0x1082;
	s9 =	sld [smem:$0x3FB5]  }
0x2f: {  	lr =	sadd.s32 s0, s3;
	s0 =	sld [smem:$0x3FAC]  }
0x30: {  	s3 =	sld [smem:$0x3FAF]  }
0x31: {  	[smem:$0x3FB8] =	sst s10  }
0x32: {  	s10 =	sld [smem:$0x3FB6];
	_ =	sdelay $0x3  }
0x33: {  	p0 =	seq.s32 s10, $0x1;
	s10 =	sld [smem:$0x3FB8];
	_ =	sdelay $0x3  }
0x34: {  	[smem:$0x3FB8] =	sst s10  }
0x35: {  	s10 =	sld [smem:$0x3FB7];
	_ =	sdelay $0x3  }
0x36: {  	p1 =	seq.s32 s10, $0x1;
	s10 =	sld [smem:$0x3FB8];
	_ =	sdelay $0x3  }
0x37: {  	[smem:$0x3FB8] =	sst s10  }
0x38: {  	s10 =	sld [smem:$0x3FB9]  }
0x39: {  	_ = 	snop;
	(pc) =	sbr.ind lr, $3  }
0x3a: {  	_ = 	snop  }
0x3b: {  	_ = 	snop  }
0x3c: {  	p2 =	seq.s32 s10, $0x1;
	s10 =	sld [smem:$0x3FB8]  }
0x3d: {  	_ =	shalt  }
0x3e: {  	_ =	shalt  }
0x3f: {  	_ =	shalt  }
0x40: {  	_ =	shalt  }
0x41: {  	_ =	shalt  }
0x42: {  	_ =	shalt  }
0x43: {  	_ =	shalt  }
0x44: {  	_ =	shalt  }
0x45: {  	_ =	shalt  }
0x46: {  	_ =	shalt  }
0x47: {  	_ =	shalt  }
0x48: {  	_ =	shalt  }
0x49: {  	_ =	shalt  }
0x4a: {  	_ =	shalt  }
0x4b: {  	_ =	shalt  }
0x4c: {  	_ =	shalt  }
0x4d: {  	_ =	shalt  }
0x4e: {  	_ =	shalt  }
0x4f: {  	_ =	shalt  }
0x50: {  	_ =	shalt  }
0x51: {  	_ =	shalt  }
0x52: {  	_ =	shalt  }
0x53: {  	_ =	shalt  }
0x54: {  	_ =	shalt  }
0x55: {  	_ =	shalt  }
0x56: {  	_ =	shalt  }
0x57: {  	_ =	shalt  }
0x58: {  	_ =	shalt  }
0x59: {  	_ =	shalt  }
0x5a: {  	_ =	shalt  }
0x5b: {  	_ =	shalt  }
0x5c: {  	_ =	shalt  }
0x5d: {  	_ =	shalt  }
0x5e: {  	_ =	shalt  }
0x5f: {  	_ =	shalt  }
0x60: {  	_ =	shalt  }
0x61: {  	_ =	shalt  }
0x62: {  	_ =	shalt  }
0x63: {  	_ =	shalt  }
0x64: {  	_ =	shalt  }
0x65: {  	_ =	shalt  }
0x66: {  	_ =	shalt  }
0x67: {  	_ =	shalt  }
0x68: {  	_ =	shalt  }
0x69: {  	_ =	shalt  }
0x6a: {  	_ =	shalt  }
0x6b: {  	_ =	shalt  }
0x6c: {  	_ =	shalt  }
0x6d: {  	_ =	shalt  }
0x6e: {  	_ =	shalt  }
0x6f: {  	_ =	shalt  }
0x70: {  	_ =	shalt  }
0x71: {  	_ =	shalt  }
0x72: {  	_ =	shalt  }
0x73: {  	_ =	shalt  }
0x74: {  	_ =	shalt  }
0x75: {  	_ =	shalt  }
0x76: {  	_ =	shalt  }
0x77: {  	_ =	shalt  }
0x78: {  	_ =	shalt  }
0x79: {  	_ =	shalt  }
0x7a: {  	_ =	shalt  }
0x7b: {  	_ =	shalt  }
0x7c: {  	_ =	shalt  }
0x7d: {  	_ =	shalt  }
0x7e: {  	_ =	shalt  }
0x7f: {  	_ =	shalt  }
0x80: {  	_ =	shalt  }
0x81: {  	_ =	shalt  }
0x82: {  	_ =	shalt  }
0x83: {  	_ =	shalt  }
0x84: {  	_ =	shalt  }
0x85: {  	_ =	shalt  }
0x86: {  	_ =	shalt  }
0x87: {  	_ =	shalt  }
.Lfunc_end0:
.L_simem_size_0:
called_computation.1_lowered:
.L_overlay_start_0:
0x88: {  	s2 =	sld [smem:$0x3FD9]  }
0x89: {  	s3 =	sld [smem:$0x3FFE];
	_ =	sdelay $0x1  }
0x8a: {  	s1 =	srdreg.scid  }
0x8b: {  	s0 =	sand.u32 $0x1, s1  }
0x8c: {  	s17 =	sshll.u32 s0, $0xA;
	s2 =	sadd.s32 s3, s2  }
0x8d: {  	s2 =	sadd.s32 s2, s17  }
0x8e: {  	[smem:$0x3FC4] =	sst s2  }
0x8f: {  	_ = 	snop  }
0x90: {  	s4 =	sld [smem:$0x3FC9]  }
0x91: {  	s18 =	sld [smem:$0x3FD0];
	(tm) =	ssettm $0x1  }
0x92: {  	s19 =	sld [smem:$0x3FFB];
	_ =	sdelay $0x3  }
0x93: {  	_ =	strace s19  }
0x94: {  	s2 =	sld [smem:$0x3FFC];
	_ =	sdelay $0x3  }
0x95: {  	_ =	strace s2  }
0x96: {  	s2 =	sld [smem:$0x3FFD];
	_ =	sdelay $0x3  }
0x97: {  	_ =	strace s2  }
0x98: {  	_ =	strace $0x8FFFFFFF  }
0x99: {  	s20 =	sld [smem:$0x3FDB];
	_ =	sdelay $0x1  }
0x9a: {  	s5 =	simm.s32 $_scs_section_size  }
0x9b: {  	s6 =	simm.s32 $_size__tile_overlayer_lowered;
	s7 =	simm.s32 $_tile_overlayer_lowered  }
0x9c: {  	s8 =	simm.s32 $0x1BFF;
	s21 =	sshll.u32 s7, $0x1;
	s5 =	sadd.s32 s5, s20  }
0x9d: {  	s22 =	simm.s32 $0x0;
	s6 =	sshll.u32 s6, $0x1;
	s7 =	sadd.s32 s21, s5  }
0x9e: {  	[timem:s22], [sflag:s8] =	dma.local [hbm:s7], s6  }
0x9f: {  	_ =	swait.ge [sflag:s8], s6  }
0xa0: {  	s6 =	ssub.s32 $0x0, s6;
	[sflag:s8] =	ssyncset.done $0x0  }
0xa1: {  	[sflag:s8] =	ssyncadd.s32 s6;
	_ =	sdelay $0x1  }
0xa2: {  	s23 =	simm.s32 $0x1B8B  }
0xa3: {  	_ =	swait.ge [sflag:s23], $0x1  }
0xa4: {  	[sflag:s23] =	ssyncset.done $0x0  }
0xa5: {  	[sflag:s23] =	ssyncadd.s32 $0xFFFFFFFF  }
0xa6: {  	s6 =	sld [smem:$0x0]  }
0xa7: {  	s7 =	sand.u32 $0xFFFFFFFE, s1  }
0xa8: {  	p0 =	sne.s32 s1, s7  }
0xa9: {  	s7 =	sshll.u32 @p0 s7, $0xE  }
0xaa: {  	s7 =	sadd.s32 @p0 $0x11B8D, s7;
	s8 =	sshll.u32 @p0 s6, $0x11  }
0xab: {  	s7 =	sor.u32 @p0 s8, s7  }
0xac: {  	[sflag:s7] =	ssyncadd.remote.s32 @p0 $0x1;
	_ =	sdelay $0x1  }
0xad: {  	s7 =	simm.s32 @p0 $0x1B8D  }
0xae: {  	_ =	swait.eq @p0 [sflag:s7], $0x1  }
0xaf: {  	[sflag:s7] =	ssyncadd.s32 @p0 $0xFFFFFFFF  }
0xb0: {  	s8 =	sshll.u32 @!p0 s1, $0xE  }
0xb1: {  	s8 =	sor.u32 @!p0 $0x4000, s8;
	s7 =	simm.s32 @!p0 $0x1B8D  }
0xb2: {  	s6 =	sshll.u32 @!p0 s6, $0x11;
	s8 =	sadd.s32 @!p0 $0x11B8D, s8;
	_ =	swait.eq @!p0 [sflag:s7], $0x1  }
0xb3: {  	s6 =	sor.u32 @!p0 s6, s8;
	[sflag:s7] =	ssyncadd.s32 @!p0 $0xFFFFFFFF  }
0xb4: {  	s25 =	simm.s32 $0x1B8E;
	s24 =	sld [smem:$0x3FFE];
	[sflag:s6] =	ssyncadd.remote.s32 @!p0 $0x1  }
0xb5: {  	s26 =	simm.s32 $execute0_lowered;
	[smem:$0x3FD2] =	sst s25  }
0xb6: {  	s7 =	sshll.u32 s26, $0x1;
	_ =	strace $0x80000049;
	[dreg:$0x1] =	wrdreg $0xFFFFFFFF  }
0xb7: {  	s28 =	simm.s32 $_size_execute0_lowered;
	s5 =	sadd.s32 s5, s7;
	[dreg:$0x0] =	wrdreg $0x0  }
0xb8: {  	s7 =	sshll.u32 s28, $0x1;
	[dreg:$0x2] =	wrdreg s5  }
0xb9: {  	[dreg:$0x3] =	wrdreg s7  }
0xba: {  	[dreg:$0x4] =	wrdreg $0xC0  }
0xbb: {  	_ =	task [dreg:s22], $0x5FFFF  }
0xbc: {  	[dreg:$0x1] =	wrdreg $0xFFFFFFFF  }
0xbd: {  	[dreg:$0x0] =	wrdreg $0x60  }
0xbe: {  	[dreg:$0x2] =	wrdreg s4  }
0xbf: {  	[dreg:$0x3] =	wrdreg s24  }
0xc0: {  	[dreg:$0x4] =	wrdreg s18  }
0xc1: {  	[dreg:$0x5] =	wrdreg $0xA  }
0xc2: {  	_ =	task.clear_ibuf [dreg:s22], $0x6FFFF;
	_ =	strace $0x90000049  }
0xc3: {  	s29 =	simm.s32 $0xA;
	_ =	strace $0x8000004B  }
0xc4: {  	_ =	swait.ge [sflag:s29], $0x1  }
0xc5: {  	[sflag:s29] =	ssyncadd.s32 $0xFFFFFFFF  }
0xc6: {  	_ =	strace $0x9000004B  }
0xc7: {  	_ =	sfence  }
0xc8: {  	s30 =	sld [smem:$0x0];
	_ =	sdelay $0x2  }
0xc9: {  	s31 =	sshll.u32 s1, $0xD;
	s1 =	sshrl.u32 s1, $0x2  }
0xca: {  	s4 =	sand.u32 $0x4000, s31;
	s1 =	sadd.s32 s1, s30  }
0xcb: {  	s0 =	sor.u32 s4, s0;
	s1 =	sshll.u32 s1, $0x11  }
0xcc: {  	s0 =	sor.u32 s1, s0  }
0xcd: {  	s0 =	sadd.s32 $0x8F2B, s0  }
0xce: {  	[sflag:s0] =	ssyncadd.remote.s32 $0x1  }
0xcf: {  	_ =	sfence.sel $0xFFFF  }
0xd0: {  	[dreg:$0x0] =	wrdreg $0xFFFFFFFF;
	(pc) =	sbr.abs _section_cstart, $3  }
0xd1: {  	[dreg:$0x1] =	wrdreg $0xFFFFFFFF  }
0xd2: {  	_ =	task.clear_ibuf [dreg:s22], $0x2FFFF;
	_ =	strace $0x9FFFFFFF  }
0xd3: {  	(tm) =	ssettm $0x7FFFFFFF  }
tec
execute0_lowered:
.L_overlay_start_1:
0x0: {  	(tag) =	ssettag $0x1  }
0x1: {  	s1 =	rddreg [dreg:$0x0]  }
0x2: {  	s0 =	rddreg [dreg:$0x1]  }
0x3: {  	s2 =	srdreg.scid;
	s3 =	stileid.u32  }
0x4: {  	s5 =	rddreg [dreg:$0x2];
	s9 =	simm.s32 $0x2;
	s19 =	simm.s32 $0x1  }
0x5: {  	s21 =	simm.s32 $0x900;
	s22 =	simm.s32 $0x1100;
	s23 =	simm.s32 $0x1900  }
0x6: {  	s28 =	simm.s32 $0x3900;
	s29 =	simm.s32 $0x4100;
	s30 =	simm.s32 $0x4900  }
0x7: {  	s31 =	simm.s32 $0x5100;
	s11 =	simm.s32 $0x6900;
	s12 =	simm.s32 $0x7100  }
0x8: {  	s13 =	simm.s32 $0x7900;
	s14 =	simm.s32 $0x8900;
	s15 =	simm.s32 $0x9100  }
0x9: {  	s16 =	simm.s32 $0x9900;
	s17 =	simm.s32 $0xA100;
	s18 =	simm.s32 $0xA900  }
0xa: {  	s10 =	simm.s32 $0xB100;
	s2 =	sand.u32 $0x1, s2;
	s4 =	sshll.u32 s3, $0x1  }
0xb: {  	s3 =	simm.s32 $0x0;
	s7 =	sadd.s32 $0x300, s1;
	s4 =	sor.u32 s2, s4  }
0xc: {  	[smem:$0x7FF] =	sst s3;
	s2 =	ssub.s32 $0x2, s2;
	s6 =	sshll.u32 s4, $0x5  }
0xd: {  	_ =	strace $0x8000004A;
	s24 =	sshrl.u32 s2, $0x1;
	s25 =	sshll.u32 s4, $0xE  }
0xe: {  	s4 =	sadd.s32 $0x100, s1;
	s0 =	sadd.s32 s6, s0;
	s2 =	ssub.s32 s2, s24  }
0xf: {  	s26 =	sadd.s32 s5, s25;
	s6 =	sadd.s32 $0x200, s1;
	s24 =	simm.s32 $0x2100  }
0x10: {  	v2 =	vlaneseq.u32;
	s25 =	simm.s32 $0x2900;
	s0 =	sadd.s32 $0x200, s0;
	[dreg:$0x6] =	wrdreg s26  }
0x11: {  	vm0 =	vmmov $0xffff;
	v1 =	vshrl.u32 v2, $0x3;
	s8 =	smax.u32 s2, $0x1;
	[dreg:$0x4] =	wrdreg s0;
	s0 =	sadd.s32 $0x2000, s26  }
0x12: {  	v0 =	vand.u32 $0x7, v2;
	v2 =	vor.u32 $0x8, v2;
	v1 =	vmul.u32 $0x8, v1;
	s26 =	simm.s32 $0x3100;
	[dreg:$0x5] =	wrdreg s0;
	s0 =	simm.s32 $0x100  }
.LBB2_1:
0x13: {  	s20 =	rddreg [dreg:$0x4]  }
0x14: {  	[tilespmem:s3], [sflag:$0x2] =	stream.linear.gather [hbm4b:s20+s3], $0x100, $0x38;
	[tilespmem:$0x10100] =	vst v63  }
0x15: {  	_ =	swait.ge [sflag:s9], $0x100  }
0x16: {  	[sflag:s9] =	ssyncset.done $0x0  }
0x17: {  	[sflag:s9] =	ssyncadd.s32 $0xFFFFFF00  }
0x18: {  	v3 =	vld [tilespmem:$0x0];
	_ =	sdelay $0x4  }
0x19: {  	v4 =	vshll.u32 v3, $0x3  }
0x1a: {  	v3 =	vand.u32 $0x7, v3;
	v4 =	vand.u32 $0xFFFFFFC0, v4  }
0x1b: {  	v3 =	vor.u32 v3, v4  }
0x1c: {  	v4 =	vperm.xlane v3, v0;
	_ =	sdelay $0x1  }
0x1d: {  	v4 =	vadd.s32 v1, v4;
	_ =	sdelay $0x4  }
0x1e: {  	[tilespmem:s0], [sflag:$0x1] =	stream.indirect_vreg.gather [hbm4b:s1+s3], $0x80, v4, vm0, $0xb8;
	[tilespmem:$0x10100] =	vst v63  }
0x1f: {  	v3 =	vperm.xlane v3, v2  }
0x20: {  	[tilespmem:s21], [sflag:$0x1] =	stream.indirect_vreg.gather [hbm4b:s4+s3], $0x80, v4, vm0, $0xb8;
	[tilespmem:$0x10100] =	vst v63  }
0x21: {  	v3 =	vadd.s32 v1, v3  }
0x22: {  	[tilespmem:s22], [sflag:$0x1] =	stream.indirect_vreg.gather [hbm4b:s6+s3], $0x80, v4, vm0, $0xb8;
	[tilespmem:$0x10100] =	vst v63  }
0x23: {  	_ = 	snop  }
0x24: {  	[tilespmem:s23], [sflag:$0x1] =	stream.indirect_vreg.gather [hbm4b:s7+s3], $0x80, v4, vm0, $0xb8;
	[tilespmem:$0x10100] =	vst v63  }
0x25: {  	_ = 	snop  }
0x26: {  	[tilespmem:s24], [sflag:$0x1] =	stream.indirect_vreg.gather [hbm4b:s1+s3], $0x80, v3, vm0, $0xb8;
	[tilespmem:$0x10100] =	vst v63  }
0x27: {  	_ = 	snop  }
0x28: {  	[tilespmem:s25], [sflag:$0x1] =	stream.indirect_vreg.gather [hbm4b:s4+s3], $0x80, v3, vm0, $0xb8;
	[tilespmem:$0x10100] =	vst v63  }
0x29: {  	_ = 	snop  }
0x2a: {  	[tilespmem:s26], [sflag:$0x1] =	stream.indirect_vreg.gather [hbm4b:s6+s3], $0x80, v3, vm0, $0xb8;
	[tilespmem:$0x10100] =	vst v63  }
0x2b: {  	_ = 	snop  }
0x2c: {  	[tilespmem:s28], [sflag:$0x1] =	stream.indirect_vreg.gather [hbm4b:s7+s3], $0x80, v3, vm0, $0xb8;
	[tilespmem:$0x10100] =	vst v63  }
0x2d: {  	v3 =	vld [tilespmem:$0x10];
	_ =	sdelay $0x4  }
0x2e: {  	v57 =	vshll.u32 v3, $0x3  }
0x2f: {  	v3 =	vand.u32 $0x7, v3;
	v4 =	vand.u32 $0xFFFFFFC0, v57  }
0x30: {  	v3 =	vor.u32 v3, v4  }
0x31: {  	v4 =	vperm.xlane v3, v0;
	_ =	sdelay $0x1  }
0x32: {  	v4 =	vadd.s32 v1, v4;
	_ =	sdelay $0x4  }
0x33: {  	[tilespmem:s29], [sflag:$0x1] =	stream.indirect_vreg.gather [hbm4b:s1+s3], $0x80, v4, vm0, $0xb8;
	[tilespmem:$0x10100] =	vst v63  }
0x34: {  	v3 =	vperm.xlane v3, v2  }
0x35: {  	[tilespmem:s30], [sflag:$0x1] =	stream.indirect_vreg.gather [hbm4b:s4+s3], $0x80, v4, vm0, $0xb8;
	[tilespmem:$0x10100] =	vst v63  }
0x36: {  	v3 =	vadd.s32 v1, v3  }
0x37: {  	[tilespmem:s31], [sflag:$0x1] =	stream.indirect_vreg.gather [hbm4b:s6+s3], $0x80, v4, vm0, $0xb8;
	[tilespmem:$0x10100] =	vst v63  }
0x38: {  	s2 =	simm.s32 $0x5900  }
0x39: {  	[tilespmem:s2], [sflag:$0x1] =	stream.indirect_vreg.gather [hbm4b:s7+s3], $0x80, v4, vm0, $0xb8;
	[tilespmem:$0x10100] =	vst v63  }
0x3a: {  	s5 =	simm.s32 $0x6100  }
0x3b: {  	[tilespmem:s5], [sflag:$0x1] =	stream.indirect_vreg.gather [hbm4b:s1+s3], $0x80, v3, vm0, $0xb8;
	[tilespmem:$0x10100] =	vst v63  }
0x3c: {  	_ = 	snop  }
0x3d: {  	[tilespmem:s11], [sflag:$0x1] =	stream.indirect_vreg.gather [hbm4b:s4+s3], $0x80, v3, vm0, $0xb8;
	[tilespmem:$0x10100] =	vst v63  }
0x3e: {  	_ = 	snop  }
0x3f: {  	[tilespmem:s12], [sflag:$0x1] =	stream.indirect_vreg.gather [hbm4b:s6+s3], $0x80, v3, vm0, $0xb8;
	[tilespmem:$0x10100] =	vst v63  }
0x40: {  	_ = 	snop  }
0x41: {  	[tilespmem:s13], [sflag:$0x1] =	stream.indirect_vreg.gather [hbm4b:s7+s3], $0x80, v3, vm0, $0xb8;
	[tilespmem:$0x10100] =	vst v63  }
0x42: {  	v3 =	vld [tilespmem:$0x20];
	_ =	sdelay $0x4  }
0x43: {  	v58 =	vshll.u32 v3, $0x3  }
0x44: {  	v3 =	vand.u32 $0x7, v3;
	v4 =	vand.u32 $0xFFFFFFC0, v58  }
0x45: {  	v3 =	vor.u32 v3, v4  }
0x46: {  	v4 =	vperm.xlane v3, v0;
	_ =	sdelay $0x1  }
0x47: {  	v4 =	vadd.s32 v1, v4;
	_ =	sdelay $0x3  }
0x48: {  	s5 =	simm.s32 $0x8100  }
0x49: {  	[tilespmem:s5], [sflag:$0x1] =	stream.indirect_vreg.gather [hbm4b:s1+s3], $0x80, v4, vm0, $0xb8;
	[tilespmem:$0x10100] =	vst v63  }
0x4a: {  	v3 =	vperm.xlane v3, v2  }
0x4b: {  	[tilespmem:s14], [sflag:$0x1] =	stream.indirect_vreg.gather [hbm4b:s4+s3], $0x80, v4, vm0, $0xb8;
	[tilespmem:$0x10100] =	vst v63  }
0x4c: {  	v3 =	vadd.s32 v1, v3  }
0x4d: {  	[tilespmem:s15], [sflag:$0x1] =	stream.indirect_vreg.gather [hbm4b:s6+s3], $0x80, v4, vm0, $0xb8;
	[tilespmem:$0x10100] =	vst v63  }
0x4e: {  	_ = 	snop  }
0x4f: {  	[tilespmem:s16], [sflag:$0x1] =	stream.indirect_vreg.gather [hbm4b:s7+s3], $0x80, v4, vm0, $0xb8;
	[tilespmem:$0x10100] =	vst v63  }
0x50: {  	_ = 	snop  }
0x51: {  	[tilespmem:s17], [sflag:$0x1] =	stream.indirect_vreg.gather [hbm4b:s1+s3], $0x80, v3, vm0, $0xb8;
	[tilespmem:$0x10100] =	vst v63  }
0x52: {  	_ = 	snop  }
0x53: {  	[tilespmem:s18], [sflag:$0x1] =	stream.indirect_vreg.gather [hbm4b:s4+s3], $0x80, v3, vm0, $0xb8;
	[tilespmem:$0x10100] =	vst v63  }
0x54: {  	_ = 	snop  }
0x55: {  	[tilespmem:s10], [sflag:$0x1] =	stream.indirect_vreg.gather [hbm4b:s6+s3], $0x80, v3, vm0, $0xb8;
	[tilespmem:$0x10100] =	vst v63  }
0x56: {  	s20 =	simm.s32 $0xB900  }
0x57: {  	[tilespmem:s20], [sflag:$0x1] =	stream.indirect_vreg.gather [hbm4b:s7+s3], $0x80, v3, vm0, $0xb8;
	[tilespmem:$0x10100] =	vst v63  }
0x58: {  	v3 =	vld [tilespmem:$0x30];
	_ =	sdelay $0x4  }
0x59: {  	v59 =	vshll.u32 v3, $0x3  }
0x5a: {  	v3 =	vand.u32 $0x7, v3;
	v4 =	vand.u32 $0xFFFFFFC0, v59  }
0x5b: {  	v3 =	vor.u32 v3, v4  }
0x5c: {  	v4 =	vperm.xlane v3, v0;
	_ =	sdelay $0x1  }
0x5d: {  	v4 =	vadd.s32 v1, v4;
	_ =	sdelay $0x3  }
0x5e: {  	s20 =	simm.s32 $0xC100  }
0x5f: {  	[tilespmem:s20], [sflag:$0x1] =	stream.indirect_vreg.gather [hbm4b:s1+s3], $0x80, v4, vm0, $0xb8;
	[tilespmem:$0x10100] =	vst v63  }
0x60: {  	v3 =	vperm.xlane v3, v2;
	s20 =	simm.s32 $0xC900  }
0x61: {  	[tilespmem:s20], [sflag:$0x1] =	stream.indirect_vreg.gather [hbm4b:s4+s3], $0x80, v4, vm0, $0xb8;
	[tilespmem:$0x10100] =	vst v63  }
0x62: {  	v3 =	vadd.s32 v1, v3;
	s20 =	simm.s32 $0xD100  }
0x63: {  	[tilespmem:s20], [sflag:$0x1] =	stream.indirect_vreg.gather [hbm4b:s6+s3], $0x80, v4, vm0, $0xb8;
	[tilespmem:$0x10100] =	vst v63  }
0x64: {  	s20 =	simm.s32 $0xD900  }
0x65: {  	[tilespmem:s20], [sflag:$0x1] =	stream.indirect_vreg.gather [hbm4b:s7+s3], $0x80, v4, vm0, $0xb8;
	[tilespmem:$0x10100] =	vst v63  }
0x66: {  	s20 =	simm.s32 $0xE100  }
0x67: {  	[tilespmem:s20], [sflag:$0x1] =	stream.indirect_vreg.gather [hbm4b:s1+s3], $0x80, v3, vm0, $0xb8;
	[tilespmem:$0x10100] =	vst v63  }
0x68: {  	s20 =	simm.s32 $0xE900  }
0x69: {  	[tilespmem:s20], [sflag:$0x1] =	stream.indirect_vreg.gather [hbm4b:s4+s3], $0x80, v3, vm0, $0xb8;
	[tilespmem:$0x10100] =	vst v63  }
0x6a: {  	s20 =	simm.s32 $0xF100  }
0x6b: {  	[tilespmem:s20], [sflag:$0x1] =	stream.indirect_vreg.gather [hbm4b:s6+s3], $0x80, v3, vm0, $0xb8;
	[tilespmem:$0x10100] =	vst v63  }
0x6c: {  	s20 =	simm.s32 $0xF900  }
0x6d: {  	[tilespmem:s20], [sflag:$0x1] =	stream.indirect_vreg.gather [hbm4b:s7+s3], $0x80, v3, vm0, $0xb8;
	[tilespmem:$0x10100] =	vst v63  }
0x6e: {  	_ =	swait.ge [sflag:s19], $0x10000  }
0x6f: {  	[sflag:s19] =	ssyncset.done $0x0  }
0x70: {  	s20 =	rddreg [dreg:$0x6];
	[sflag:s19] =	ssyncadd.s32 $0xFFFF0000  }
0x71: {  	[hbm4b:s20+s3] =	stream.linear.scatter [tilespmem:s0], [sflag:$0x2], $0x10000, $0x38;
	[tilespmem:$0x10100] =	vst v63  }
0x72: {  	_ =	swait.ge [sflag:s9], $0x10000  }
0x73: {  	[sflag:s9] =	ssyncset.done $0x0  }
0x74: {  	[sflag:s9] =	ssyncadd.s32 $0xFFFF0000  }
0x75: {  	v3 =	vld [tilespmem:$0x80];
	_ =	sdelay $0x4  }
0x76: {  	v60 =	vshll.u32 v3, $0x3  }
0x77: {  	v3 =	vand.u32 $0x7, v3;
	v4 =	vand.u32 $0xFFFFFFC0, v60  }
0x78: {  	v3 =	vor.u32 v3, v4  }
0x79: {  	v4 =	vperm.xlane v3, v0;
	_ =	sdelay $0x1  }
0x7a: {  	v4 =	vadd.s32 v1, v4;
	_ =	sdelay $0x4  }
0x7b: {  	[tilespmem:s0], [sflag:$0x1] =	stream.indirect_vreg.gather [hbm4b:s1+s3], $0x80, v4, vm0, $0xb8;
	[tilespmem:$0x10100] =	vst v63  }
0x7c: {  	v3 =	vperm.xlane v3, v2  }
0x7d: {  	[tilespmem:s21], [sflag:$0x1] =	stream.indirect_vreg.gather [hbm4b:s4+s3], $0x80, v4, vm0, $0xb8;
	[tilespmem:$0x10100] =	vst v63  }
0x7e: {  	v3 =	vadd.s32 v1, v3  }
0x7f: {  	[tilespmem:s22], [sflag:$0x1] =	stream.indirect_vreg.gather [hbm4b:s6+s3], $0x80, v4, vm0, $0xb8;
	[tilespmem:$0x10100] =	vst v63  }
0x80: {  	_ = 	snop  }
0x81: {  	[tilespmem:s23], [sflag:$0x1] =	stream.indirect_vreg.gather [hbm4b:s7+s3], $0x80, v4, vm0, $0xb8;
	[tilespmem:$0x10100] =	vst v63  }
0x82: {  	_ = 	snop  }
0x83: {  	[tilespmem:s24], [sflag:$0x1] =	stream.indirect_vreg.gather [hbm4b:s1+s3], $0x80, v3, vm0, $0xb8;
	[tilespmem:$0x10100] =	vst v63  }
0x84: {  	_ = 	snop  }
0x85: {  	[tilespmem:s25], [sflag:$0x1] =	stream.indirect_vreg.gather [hbm4b:s4+s3], $0x80, v3, vm0, $0xb8;
	[tilespmem:$0x10100] =	vst v63  }
0x86: {  	_ = 	snop  }
0x87: {  	[tilespmem:s26], [sflag:$0x1] =	stream.indirect_vreg.gather [hbm4b:s6+s3], $0x80, v3, vm0, $0xb8;
	[tilespmem:$0x10100] =	vst v63  }
0x88: {  	_ = 	snop  }
0x89: {  	[tilespmem:s28], [sflag:$0x1] =	stream.indirect_vreg.gather [hbm4b:s7+s3], $0x80, v3, vm0, $0xb8;
	[tilespmem:$0x10100] =	vst v63  }
0x8a: {  	v3 =	vld [tilespmem:$0x90];
	_ =	sdelay $0x4  }
0x8b: {  	v61 =	vshll.u32 v3, $0x3  }
0x8c: {  	v3 =	vand.u32 $0x7, v3;
	v4 =	vand.u32 $0xFFFFFFC0, v61  }
0x8d: {  	v3 =	vor.u32 v3, v4  }
0x8e: {  	v4 =	vperm.xlane v3, v0;
	_ =	sdelay $0x1  }
0x8f: {  	v4 =	vadd.s32 v1, v4;
	_ =	sdelay $0x4  }
0x90: {  	[tilespmem:s29], [sflag:$0x1] =	stream.indirect_vreg.gather [hbm4b:s1+s3], $0x80, v4, vm0, $0xb8;
	[tilespmem:$0x10100] =	vst v63  }
0x91: {  	v3 =	vperm.xlane v3, v2  }
0x92: {  	[tilespmem:s30], [sflag:$0x1] =	stream.indirect_vreg.gather [hbm4b:s4+s3], $0x80, v4, vm0, $0xb8;
	[tilespmem:$0x10100] =	vst v63  }
0x93: {  	v3 =	vadd.s32 v1, v3  }
0x94: {  	[tilespmem:s31], [sflag:$0x1] =	stream.indirect_vreg.gather [hbm4b:s6+s3], $0x80, v4, vm0, $0xb8;
	[tilespmem:$0x10100] =	vst v63  }
0x95: {  	_ = 	snop  }
0x96: {  	[tilespmem:s2], [sflag:$0x1] =	stream.indirect_vreg.gather [hbm4b:s7+s3], $0x80, v4, vm0, $0xb8;
	[tilespmem:$0x10100] =	vst v63  }
0x97: {  	s20 =	simm.s32 $0x6100  }
0x98: {  	[tilespmem:s20], [sflag:$0x1] =	stream.indirect_vreg.gather [hbm4b:s1+s3], $0x80, v3, vm0, $0xb8;
	[tilespmem:$0x10100] =	vst v63  }
0x99: {  	_ = 	snop  }
0x9a: {  	[tilespmem:s11], [sflag:$0x1] =	stream.indirect_vreg.gather [hbm4b:s4+s3], $0x80, v3, vm0, $0xb8;
	[tilespmem:$0x10100] =	vst v63  }
0x9b: {  	_ = 	snop  }
0x9c: {  	[tilespmem:s12], [sflag:$0x1] =	stream.indirect_vreg.gather [hbm4b:s6+s3], $0x80, v3, vm0, $0xb8;
	[tilespmem:$0x10100] =	vst v63  }
0x9d: {  	_ = 	snop  }
0x9e: {  	[tilespmem:s13], [sflag:$0x1] =	stream.indirect_vreg.gather [hbm4b:s7+s3], $0x80, v3, vm0, $0xb8;
	[tilespmem:$0x10100] =	vst v63  }
0x9f: {  	v3 =	vld [tilespmem:$0xA0];
	_ =	sdelay $0x4  }
0xa0: {  	v62 =	vshll.u32 v3, $0x3  }
0xa1: {  	v3 =	vand.u32 $0x7, v3;
	v4 =	vand.u32 $0xFFFFFFC0, v62  }
0xa2: {  	v3 =	vor.u32 v3, v4  }
0xa3: {  	v4 =	vperm.xlane v3, v0;
	_ =	sdelay $0x1  }
0xa4: {  	v4 =	vadd.s32 v1, v4;
	_ =	sdelay $0x4  }
0xa5: {  	[tilespmem:s5], [sflag:$0x1] =	stream.indirect_vreg.gather [hbm4b:s1+s3], $0x80, v4, vm0, $0xb8;
	[tilespmem:$0x10100] =	vst v63  }
0xa6: {  	v3 =	vperm.xlane v3, v2  }
0xa7: {  	[tilespmem:s14], [sflag:$0x1] =	stream.indirect_vreg.gather [hbm4b:s4+s3], $0x80, v4, vm0, $0xb8;
	[tilespmem:$0x10100] =	vst v63  }
0xa8: {  	v3 =	vadd.s32 v1, v3  }
0xa9: {  	[tilespmem:s15], [sflag:$0x1] =	stream.indirect_vreg.gather [hbm4b:s6+s3], $0x80, v4, vm0, $0xb8;
	[tilespmem:$0x10100] =	vst v63  }
0xaa: {  	_ = 	snop  }
0xab: {  	[tilespmem:s16], [sflag:$0x1] =	stream.indirect_vreg.gather [hbm4b:s7+s3], $0x80, v4, vm0, $0xb8;
	[tilespmem:$0x10100] =	vst v63  }
0xac: {  	_ = 	snop  }
0xad: {  	[tilespmem:s17], [sflag:$0x1] =	stream.indirect_vreg.gather [hbm4b:s1+s3], $0x80, v3, vm0, $0xb8;
	[tilespmem:$0x10100] =	vst v63  }
0xae: {  	_ = 	snop  }
0xaf: {  	[tilespmem:s18], [sflag:$0x1] =	stream.indirect_vreg.gather [hbm4b:s4+s3], $0x80, v3, vm0, $0xb8;
	[tilespmem:$0x10100] =	vst v63  }
0xb0: {  	_ = 	snop  }
0xb1: {  	[tilespmem:s10], [sflag:$0x1] =	stream.indirect_vreg.gather [hbm4b:s6+s3], $0x80, v3, vm0, $0xb8;
	[tilespmem:$0x10100] =	vst v63  }
0xb2: {  	s20 =	simm.s32 $0xB900  }
0xb3: {  	[tilespmem:s20], [sflag:$0x1] =	stream.indirect_vreg.gather [hbm4b:s7+s3], $0x80, v3, vm0, $0xb8;
	[tilespmem:$0x10100] =	vst v63  }
0xb4: {  	v3 =	vld [tilespmem:$0xB0];
	_ =	sdelay $0x4  }
0xb5: {  	v63 =	vshll.u32 v3, $0x3  }
0xb6: {  	v3 =	vand.u32 $0x7, v3;
	v4 =	vand.u32 $0xFFFFFFC0, v63  }
0xb7: {  	v3 =	vor.u32 v3, v4  }
0xb8: {  	v4 =	vperm.xlane v3, v0;
	_ =	sdelay $0x1  }
0xb9: {  	v4 =	vadd.s32 v1, v4;
	_ =	sdelay $0x3  }
0xba: {  	s5 =	simm.s32 $0xC100  }
0xbb: {  	[tilespmem:s5], [sflag:$0x1] =	stream.indirect_vreg.gather [hbm4b:s1+s3], $0x80, v4, vm0, $0xb8;
	[tilespmem:$0x10100] =	vst v63  }
0xbc: {  	s20 =	simm.s32 $0xC900;
	v3 =	vperm.xlane v3, v2  }
0xbd: {  	[tilespmem:s20], [sflag:$0x1] =	stream.indirect_vreg.gather [hbm4b:s4+s3], $0x80, v4, vm0, $0xb8;
	[tilespmem:$0x10100] =	vst v63  }
0xbe: {  	v3 =	vadd.s32 v1, v3;
	s5 =	simm.s32 $0xD100  }
0xbf: {  	[tilespmem:s5], [sflag:$0x1] =	stream.indirect_vreg.gather [hbm4b:s6+s3], $0x80, v4, vm0, $0xb8;
	[tilespmem:$0x10100] =	vst v63  }
0xc0: {  	s20 =	simm.s32 $0xD900  }
0xc1: {  	[tilespmem:s20], [sflag:$0x1] =	stream.indirect_vreg.gather [hbm4b:s7+s3], $0x80, v4, vm0, $0xb8;
	[tilespmem:$0x10100] =	vst v63  }
0xc2: {  	s5 =	simm.s32 $0xE100  }
0xc3: {  	[tilespmem:s5], [sflag:$0x1] =	stream.indirect_vreg.gather [hbm4b:s1+s3], $0x80, v3, vm0, $0xb8;
	[tilespmem:$0x10100] =	vst v63  }
0xc4: {  	s20 =	simm.s32 $0xE900  }
0xc5: {  	[tilespmem:s20], [sflag:$0x1] =	stream.indirect_vreg.gather [hbm4b:s4+s3], $0x80, v3, vm0, $0xb8;
	[tilespmem:$0x10100] =	vst v63  }
0xc6: {  	s5 =	simm.s32 $0xF100  }
0xc7: {  	[tilespmem:s5], [sflag:$0x1] =	stream.indirect_vreg.gather [hbm4b:s6+s3], $0x80, v3, vm0, $0xb8;
	[tilespmem:$0x10100] =	vst v63  }
0xc8: {  	s20 =	simm.s32 $0xF900  }
0xc9: {  	[tilespmem:s20], [sflag:$0x1] =	stream.indirect_vreg.gather [hbm4b:s7+s3], $0x80, v3, vm0, $0xb8;
	[tilespmem:$0x10100] =	vst v63  }
0xca: {  	_ =	swait.ge [sflag:s19], $0x10000  }
0xcb: {  	p0 =	sne.s32 s8, $0x1;
	[sflag:s19] =	ssyncset.done $0x0  }
.Ltmp0:
0xcc: {  	s5 =	rddreg [dreg:$0x5];
	[sflag:s19] =	ssyncadd.s32 $0xFFFF0000;
	(pc) =	sbr.rel @p0 .LBB2_1-.Ltmp0, $4  }
0xcd: {  	[hbm4b:s5+s3] =	stream.linear.scatter [tilespmem:s0], [sflag:$0x2], $0x10000, $0x38;
	[tilespmem:$0x10100] =	vst v63  }
0xce: {  	_ =	swait.ge [sflag:s9], $0x10000  }
0xcf: {  	[sflag:s9] =	ssyncset.done $0x0  }
0xd0: {  	s8 =	sadd.s32 $0xFFFFFFFF, s8;
	[sflag:s9] =	ssyncadd.s32 $0xFFFF0000  }
0xd1: {  	_ =	sfence.sel $0x180000  }
0xd2: {  	[bflag:$0x0] =	sbarrier.arrive $0xFFFF  }
0xd3: {  	_ =	strace $0x9000004A  }
0xd4: {  	s0 =	stileid.u32;
	[bflag:$0x2] =	sbarrier.arrive $0xFFFF  }
0xd5: {  	p0 =	sne.s32 s0, $0x0;
	s0 =	rddreg [dreg:$0x3]  }
0xd6: {  	s0 =	sadd.s32 @!p0 $0x100000, s0  }
0xd7: {  	[sflag:s0] =	ssyncadd.tile.s32 @!p0 $0x1;
	_ =	shalt  }
.Lfunc_end2:
_tile_overlayer_lowered:
.L_overlay_start_2:
0xd8: {  	(tag) =	ssettag $0x2  }
0xd9: {  	s0 =	rddreg [dreg:$0x0];
	s2 =	stileid.u32  }
0xda: {  	s1 =	rddreg [dreg:$0x1];
	p0 =	sne.s32 s2, $0x0  }
0xdb: {  	s3 =	rddreg [dreg:$0x2];
	[bflag:$0x3] =	sbarrier.arrive $0xFFFF;
	s2 =	simm.s32 @!p0 $0x1C02  }
0xdc: {  	[timem:s3], [sflag:s2] =	dma.local @!p0 [hbm:s0], s1  }
0xdd: {  	s0 =	simm.s32 @!p0 $0x2  }
0xde: {  	_ =	swait.ge @!p0 [sflag:s0], s1  }
0xdf: {  	s1 =	ssub.s32 @!p0 $0x0, s1;
	[sflag:s0] =	ssyncset.done @!p0 $0x0  }
0xe0: {  	[sflag:s0] =	ssyncadd.s32 @!p0 s1  }
0xe1: {  	[bflag:$0x3] =	sbarrier.arrive $0xFFFF  }
0xe2: {  	_ =	shalt  }

// kernel: kernel.8.cloned.1.call-start
scs
__scs_entry_jumppad:
0x0: {  	(pc) =	sbr.rel $0x88, $3  }
0x1: {  	(tag) =	ssettag $0x0;
	lr =	simm.s32 $0x1  }
0x2: {  	[smem:$0x3F9D] =	sst lr;
	_ =	strace $0xD0000000  }
0x3: {  	_ = 	snop  }
0x4: {  	_ = 	snop  }
0x5: {  	_ = 	snop  }
0x6: {  	_ = 	snop  }
0x7: {  	_ = 	snop  }
__scs_overlays_trampoline_lowered:
0x8: {  	[smem:$0x3FAC] =	sst s0  }
0x9: {  	[smem:$0x3FAD] =	sst s1  }
0xa: {  	[smem:$0x3FAE] =	sst s2  }
0xb: {  	[smem:$0x3FAF] =	sst s3  }
0xc: {  	[smem:$0x3FB0] =	sst s4  }
0xd: {  	[smem:$0x3FB1] =	sst s5  }
0xe: {  	[smem:$0x3FB2] =	sst s6  }
0xf: {  	[smem:$0x3FB3] =	sst s7  }
0x10: {  	[smem:$0x3FB4] =	sst s8  }
0x11: {  	[smem:$0x3FB5] =	sst s9;
	s0 =	simm.s32 @!p0 $0x0  }
0x12: {  	s1 =	sld [smem:$0x3F9B];
	s0 =	simm.s32 @p0 $0x1  }
0x13: {  	[smem:$0x3FB6] =	sst s0;
	s0 =	simm.s32 @!p1 $0x0  }
0x14: {  	s2 =	sld [smem:$0x3F9A];
	s0 =	simm.s32 @p1 $0x1  }
0x15: {  	[smem:$0x3FB7] =	sst s0;
	s0 =	simm.s32 @!p2 $0x0  }
0x16: {  	s3 =	sld [smem:$0x3FDB];
	s0 =	simm.s32 @p2 $0x1  }
0x17: {  	s4 =	simm.s32 $0x1BF5;
	[smem:$0x3FB9] =	sst s0  }
0x18: {  	s0 =	sld [smem:$0x3F9C];
	_ =	swait.ge [sflag:s4], $0x0  }
0x19: {  	s7 =	sld [smem:$0x3F9D]  }
0x1a: {  	s8 =	sadd.s32 $0xFFFFE003, lr  }
0x1b: {  	s9 =	sadd.s32 $0xFFFFFEF7, lr;
	s5 =	simm.s32 $0xFFFFFFFF;
	p2 =	slt.u32 s8, $0xFFFFF086  }
0x1c: {  	p1 =	slt.u32 s9, $0xF7A;
	s5 =	simm.s32 @!p2 $0x0  }
0x1d: {  	s5 =	simm.s32 @p1 $0x1;
	p0 =	seq.s32 s7, s2  }
0x1e: {  	s7 =	smul.u32 @!p0 $0xF7A, s2;
	p2 =	seq.s32 @!p0 s5, $0x0  }
0x1f: {  	s9 =	smul.u32 $0xF7A, s1;
	s8 =	simm.s32 @!p0 $0x1BF5;
	p2 =	por !p2, p0  }
0x20: {  	[sflag:s8] =	ssyncset.s32 @!p0 $0xFFFFF086;
	s6 =	sadd.s32 @!p0 s3, s7;
	s7 =	simm.s32 @!p0 $0x108  }
0x21: {  	s3 =	sadd.s32 s3, s9;
	s6 =	sadd.s32 @!p0 $0x88, s6;
	s7 =	simm.s32 @p2 $0x1082  }
0x22: {  	[simem:s7], [sflag:s8] =	dma.local @!p0 [hbm:s6], $0xF7A  }
0x23: {  	s9 =	sor.u32 $0xD0000000, s2;
	s6 =	simm.s32 $0x108;
	_ =	swait.ge @!p0 [sflag:s8], $0x0  }
0x24: {  	s3 =	sadd.s32 $0x88, s3;
	s6 =	simm.s32 @!p1 $0x1082;
	[sflag:s4] =	ssyncset.s32 $0xFFFFF086  }
0x25: {  	[simem:s6], [sflag:s4] =	dma.local [hbm:s3], $0xF7A  }
0x26: {  	[smem:$0x3F9D] =	sst s1;
	(tag) =	ssettag s2;
	_ =	strace s9  }
0x27: {  	s1 =	sld [smem:$0x3FAD]  }
0x28: {  	s2 =	sld [smem:$0x3FAE]  }
0x29: {  	s4 =	sld [smem:$0x3FB0]  }
0x2a: {  	p0 =	seq.s32 s5, $0x0;
	s5 =	sld [smem:$0x3FB1]  }
0x2b: {  	s6 =	sld [smem:$0x3FB2]  }
0x2c: {  	s7 =	sld [smem:$0x3FB3]  }
0x2d: {  	s3 =	simm.s32 $0x108;
	s8 =	sld [smem:$0x3FB4]  }
0x2e: {  	s3 =	simm.s32 @!p0 $0x1082;
	s9 =	sld [smem:$0x3FB5]  }
0x2f: {  	lr =	sadd.s32 s0, s3;
	s0 =	sld [smem:$0x3FAC]  }
0x30: {  	s3 =	sld [smem:$0x3FAF]  }
0x31: {  	[smem:$0x3FB8] =	sst s10  }
0x32: {  	s10 =	sld [smem:$0x3FB6];
	_ =	sdelay $0x3  }
0x33: {  	p0 =	seq.s32 s10, $0x1;
	s10 =	sld [smem:$0x3FB8];
	_ =	sdelay $0x3  }
0x34: {  	[smem:$0x3FB8] =	sst s10  }
0x35: {  	s10 =	sld [smem:$0x3FB7];
	_ =	sdelay $0x3  }
0x36: {  	p1 =	seq.s32 s10, $0x1;
	s10 =	sld [smem:$0x3FB8];
	_ =	sdelay $0x3  }
0x37: {  	[smem:$0x3FB8] =	sst s10  }
0x38: {  	s10 =	sld [smem:$0x3FB9]  }
0x39: {  	_ = 	snop;
	(pc) =	sbr.ind lr, $3  }
0x3a: {  	_ = 	snop  }
0x3b: {  	_ = 	snop  }
0x3c: {  	p2 =	seq.s32 s10, $0x1;
	s10 =	sld [smem:$0x3FB8]  }
0x3d: {  	_ =	shalt  }
0x3e: {  	_ =	shalt  }
0x3f: {  	_ =	shalt  }
0x40: {  	_ =	shalt  }
0x41: {  	_ =	shalt  }
0x42: {  	_ =	shalt  }
0x43: {  	_ =	shalt  }
0x44: {  	_ =	shalt  }
0x45: {  	_ =	shalt  }
0x46: {  	_ =	shalt  }
0x47: {  	_ =	shalt  }
0x48: {  	_ =	shalt  }
0x49: {  	_ =	shalt  }
0x4a: {  	_ =	shalt  }
0x4b: {  	_ =	shalt  }
0x4c: {  	_ =	shalt  }
0x4d: {  	_ =	shalt  }
0x4e: {  	_ =	shalt  }
0x4f: {  	_ =	shalt  }
0x50: {  	_ =	shalt  }
0x51: {  	_ =	shalt  }
0x52: {  	_ =	shalt  }
0x53: {  	_ =	shalt  }
0x54: {  	_ =	shalt  }
0x55: {  	_ =	shalt  }
0x56: {  	_ =	shalt  }
0x57: {  	_ =	shalt  }
0x58: {  	_ =	shalt  }
0x59: {  	_ =	shalt  }
0x5a: {  	_ =	shalt  }
0x5b: {  	_ =	shalt  }
0x5c: {  	_ =	shalt  }
0x5d: {  	_ =	shalt  }
0x5e: {  	_ =	shalt  }
0x5f: {  	_ =	shalt  }
0x60: {  	_ =	shalt  }
0x61: {  	_ =	shalt  }
0x62: {  	_ =	shalt  }
0x63: {  	_ =	shalt  }
0x64: {  	_ =	shalt  }
0x65: {  	_ =	shalt  }
0x66: {  	_ =	shalt  }
0x67: {  	_ =	shalt  }
0x68: {  	_ =	shalt  }
0x69: {  	_ =	shalt  }
0x6a: {  	_ =	shalt  }
0x6b: {  	_ =	shalt  }
0x6c: {  	_ =	shalt  }
0x6d: {  	_ =	shalt  }
0x6e: {  	_ =	shalt  }
0x6f: {  	_ =	shalt  }
0x70: {  	_ =	shalt  }
0x71: {  	_ =	shalt  }
0x72: {  	_ =	shalt  }
0x73: {  	_ =	shalt  }
0x74: {  	_ =	shalt  }
0x75: {  	_ =	shalt  }
0x76: {  	_ =	shalt  }
0x77: {  	_ =	shalt  }
0x78: {  	_ =	shalt  }
0x79: {  	_ =	shalt  }
0x7a: {  	_ =	shalt  }
0x7b: {  	_ =	shalt  }
0x7c: {  	_ =	shalt  }
0x7d: {  	_ =	shalt  }
0x7e: {  	_ =	shalt  }
0x7f: {  	_ =	shalt  }
0x80: {  	_ =	shalt  }
0x81: {  	_ =	shalt  }
0x82: {  	_ =	shalt  }
0x83: {  	_ =	shalt  }
0x84: {  	_ =	shalt  }
0x85: {  	_ =	shalt  }
0x86: {  	_ =	shalt  }
0x87: {  	_ =	shalt  }
.Lfunc_end0:
.L_simem_size_0:
called_computation.2_lowered:
.L_overlay_start_0:
0x88: {  	s2 =	sld [smem:$0x3FD9]  }
0x89: {  	s3 =	sld [smem:$0x3FFE];
	_ =	sdelay $0x1  }
0x8a: {  	s1 =	srdreg.scid  }
0x8b: {  	s0 =	sand.u32 $0x1, s1  }
0x8c: {  	s17 =	sshll.u32 s0, $0xA;
	s2 =	sadd.s32 s3, s2  }
0x8d: {  	s2 =	sadd.s32 s2, s17  }
0x8e: {  	[smem:$0x3FC4] =	sst s2  }
0x8f: {  	_ = 	snop  }
0x90: {  	s2 =	sld [smem:$0x3FD0];
	(tm) =	ssettm $0x1  }
0x91: {  	s18 =	sld [smem:$0x3FFB];
	_ =	sdelay $0x3  }
0x92: {  	_ =	strace s18  }
0x93: {  	s3 =	sld [smem:$0x3FFC];
	_ =	sdelay $0x3  }
0x94: {  	_ =	strace s3  }
0x95: {  	s3 =	sld [smem:$0x3FFD];
	_ =	sdelay $0x3  }
0x96: {  	_ =	strace s3  }
0x97: {  	_ =	strace $0x8FFFFFFF  }
0x98: {  	s19 =	sld [smem:$0x3FDB];
	_ =	sdelay $0x1  }
0x99: {  	s4 =	simm.s32 $_scs_section_size  }
0x9a: {  	s5 =	simm.s32 $_size__tile_overlayer_lowered;
	s6 =	simm.s32 $_tile_overlayer_lowered  }
0x9b: {  	s22 =	simm.s32 $0x1BFF;
	s21 =	sshll.u32 s6, $0x1;
	s3 =	sadd.s32 s4, s19  }
0x9c: {  	s7 =	simm.s32 $0x0;
	s20 =	sshll.u32 s5, $0x1;
	s5 =	sadd.s32 s21, s3  }
0x9d: {  	[timem:s7], [sflag:s22] =	dma.local [hbm:s5], s20  }
0x9e: {  	_ =	swait.ge [sflag:s22], s20  }
0x9f: {  	s4 =	ssub.s32 $0x0, s20;
	[sflag:s22] =	ssyncset.done $0x0  }
0xa0: {  	[sflag:s22] =	ssyncadd.s32 s4;
	_ =	sdelay $0x1  }
0xa1: {  	s23 =	simm.s32 $0x1B8B  }
0xa2: {  	_ =	swait.ge [sflag:s23], $0x1  }
0xa3: {  	[sflag:s23] =	ssyncset.done $0x0  }
0xa4: {  	s25 =	simm.s32 $0x1B8E;
	s24 =	sld [smem:$0x3FFE];
	[sflag:s23] =	ssyncadd.s32 $0xFFFFFFFF  }
0xa5: {  	s26 =	simm.s32 $execute0_lowered;
	[smem:$0x3FD2] =	sst s25  }
0xa6: {  	s5 =	sshll.u32 s26, $0x1;
	_ =	strace $0x8000004C;
	[dreg:$0x1] =	wrdreg $0xFFFFFFFF  }
0xa7: {  	s28 =	simm.s32 $_size_execute0_lowered;
	s3 =	sadd.s32 s3, s5;
	[dreg:$0x0] =	wrdreg $0x0  }
0xa8: {  	s5 =	sshll.u32 s28, $0x1;
	[dreg:$0x2] =	wrdreg s3  }
0xa9: {  	[dreg:$0x3] =	wrdreg s5  }
0xaa: {  	[dreg:$0x4] =	wrdreg $0xC0  }
0xab: {  	_ =	task [dreg:s7], $0x5FFFF  }
0xac: {  	[dreg:$0x1] =	wrdreg $0xFFFFFFFF  }
0xad: {  	[dreg:$0x0] =	wrdreg $0x60  }
0xae: {  	[dreg:$0x2] =	wrdreg s24  }
0xaf: {  	[dreg:$0x3] =	wrdreg s2  }
0xb0: {  	[dreg:$0x4] =	wrdreg $0x9  }
0xb1: {  	_ =	task.clear_ibuf [dreg:s7], $0x5FFFF;
	_ =	strace $0x9000004C  }
0xb2: {  	s29 =	simm.s32 $0x9;
	_ =	strace $0x8000004E  }
0xb3: {  	_ =	swait.ge [sflag:s29], $0x1  }
0xb4: {  	[sflag:s29] =	ssyncadd.s32 $0xFFFFFFFF  }
0xb5: {  	_ =	strace $0x9000004E  }
0xb6: {  	_ =	sfence  }
0xb7: {  	s30 =	sld [smem:$0x0];
	_ =	sdelay $0x2  }
0xb8: {  	s31 =	sshll.u32 s1, $0xD;
	s1 =	sshrl.u32 s1, $0x2  }
0xb9: {  	s3 =	sand.u32 $0x4000, s31;
	s1 =	sadd.s32 s1, s30  }
0xba: {  	s0 =	sor.u32 s3, s0;
	s1 =	sshll.u32 s1, $0x11  }
0xbb: {  	s0 =	sor.u32 s1, s0  }
0xbc: {  	s0 =	sadd.s32 $0x8F2B, s0  }
0xbd: {  	[sflag:s0] =	ssyncadd.remote.s32 $0x1  }
0xbe: {  	_ =	sfence.sel $0xFFFF  }
0xbf: {  	[dreg:$0x0] =	wrdreg $0xFFFFFFFF;
	(pc) =	sbr.abs _section_cstart, $3  }
0xc0: {  	[dreg:$0x1] =	wrdreg $0xFFFFFFFF  }
0xc1: {  	_ =	task.clear_ibuf [dreg:s7], $0x2FFFF;
	_ =	strace $0x9FFFFFFF  }
0xc2: {  	(tm) =	ssettm $0x7FFFFFFF  }
0xc3: {  	_ =	shalt  }
tec
execute0_lowered:
.L_overlay_start_1:
0x0: {  	(tag) =	ssettag $0x1  }
0x1: {  	s0 =	rddreg [dreg:$0x0]  }
0x2: {  	s1 =	rddreg [dreg:$0x1]  }
0x3: {  	s3 =	srdreg.scid;
	s4 =	stileid.u32;
	s2 =	simm.s32 $0x0  }
0x4: {  	s9 =	simm.s32 $0x2;
	s19 =	simm.s32 $0x1;
	s21 =	simm.s32 $0x900  }
0x5: {  	s22 =	simm.s32 $0x1100;
	s23 =	simm.s32 $0x1900;
	s24 =	simm.s32 $0x2100  }
0x6: {  	s28 =	simm.s32 $0x3900;
	s29 =	simm.s32 $0x4100;
	s30 =	simm.s32 $0x4900  }
0x7: {  	s31 =	simm.s32 $0x5100;
	s11 =	simm.s32 $0x6900;
	s12 =	simm.s32 $0x7100  }
0x8: {  	s13 =	simm.s32 $0x7900;
	s14 =	simm.s32 $0x8900;
	s15 =	simm.s32 $0x9100  }
0x9: {  	s16 =	simm.s32 $0x9900;
	s17 =	simm.s32 $0xA100;
	s18 =	simm.s32 $0xA900  }
0xa: {  	s3 =	sand.u32 $0x1, s3;
	s4 =	sshll.u32 s4, $0x1;
	[smem:$0x7FF] =	sst s2  }
0xb: {  	s10 =	simm.s32 $0xB100;
	s4 =	sor.u32 s3, s4;
	_ =	strace $0x8000004D  }
0xc: {  	s6 =	ssub.s32 $0x2, s3;
	s3 =	sadd.s32 $0x1000, s0;
	s5 =	sshll.u32 s4, $0x5  }
0xd: {  	s7 =	sshrl.u32 s6, $0x1;
	s25 =	sshll.u32 s4, $0xE;
	s4 =	sadd.s32 $0x1100, s0  }
0xe: {  	s5 =	sadd.s32 s5, s0;
	s8 =	ssub.s32 s6, s7;
	s1 =	sadd.s32 s1, s25  }
0xf: {  	s6 =	sadd.s32 $0x1200, s0;
	s7 =	sadd.s32 $0x1300, s0;
	s0 =	simm.s32 $0x100  }
0x10: {  	v2 =	vlaneseq.u32;
	s25 =	simm.s32 $0x2900;
	s5 =	sadd.s32 $0xC00, s5;
	[dreg:$0x5] =	wrdreg s1  }
0x11: {  	vm0 =	vmmov $0xffff;
	v1 =	vshrl.u32 v2, $0x3;
	s26 =	sadd.s32 $0x2000, s1;
	s8 =	smax.u32 s8, $0x1;
	[dreg:$0x3] =	wrdreg s5  }
0x12: {  	v0 =	vand.u32 $0x7, v2;
	v2 =	vor.u32 $0x8, v2;
	v1 =	vmul.u32 $0x8, v1;
	[dreg:$0x4] =	wrdreg s26;
	s26 =	simm.s32 $0x3100;
	s5 =	simm.s32 $0x8100  }
.LBB2_1:
0x13: {  	s20 =	rddreg [dreg:$0x3]  }
0x14: {  	[tilespmem:s2], [sflag:$0x2] =	stream.linear.gather [hbm4b:s20+s2], $0x100, $0x38;
	[tilespmem:$0x10100] =	vst v63  }
0x15: {  	_ =	swait.ge [sflag:s9], $0x100  }
0x16: {  	[sflag:s9] =	ssyncset.done $0x0  }
0x17: {  	[sflag:s9] =	ssyncadd.s32 $0xFFFFFF00  }
0x18: {  	v3 =	vld [tilespmem:$0x0];
	_ =	sdelay $0x4  }
0x19: {  	v4 =	vshll.u32 v3, $0x3  }
0x1a: {  	v3 =	vand.u32 $0x7, v3;
	v4 =	vand.u32 $0xFFFFFFC0, v4  }
0x1b: {  	v3 =	vor.u32 v3, v4  }
0x1c: {  	v4 =	vperm.xlane v3, v0;
	_ =	sdelay $0x1  }
0x1d: {  	v4 =	vadd.s32 v1, v4;
	_ =	sdelay $0x4  }
0x1e: {  	[tilespmem:s0], [sflag:$0x1] =	stream.indirect_vreg.gather [hbm4b:s3+s2], $0x80, v4, vm0, $0xb8;
	[tilespmem:$0x10100] =	vst v63  }
0x1f: {  	v3 =	vperm.xlane v3, v2  }
0x20: {  	[tilespmem:s21], [sflag:$0x1] =	stream.indirect_vreg.gather [hbm4b:s4+s2], $0x80, v4, vm0, $0xb8;
	[tilespmem:$0x10100] =	vst v63  }
0x21: {  	v3 =	vadd.s32 v1, v3  }
0x22: {  	[tilespmem:s22], [sflag:$0x1] =	stream.indirect_vreg.gather [hbm4b:s6+s2], $0x80, v4, vm0, $0xb8;
	[tilespmem:$0x10100] =	vst v63  }
0x23: {  	_ = 	snop  }
0x24: {  	[tilespmem:s23], [sflag:$0x1] =	stream.indirect_vreg.gather [hbm4b:s7+s2], $0x80, v4, vm0, $0xb8;
	[tilespmem:$0x10100] =	vst v63  }
0x25: {  	_ = 	snop  }
0x26: {  	[tilespmem:s24], [sflag:$0x1] =	stream.indirect_vreg.gather [hbm4b:s3+s2], $0x80, v3, vm0, $0xb8;
	[tilespmem:$0x10100] =	vst v63  }
0x27: {  	_ = 	snop  }
0x28: {  	[tilespmem:s25], [sflag:$0x1] =	stream.indirect_vreg.gather [hbm4b:s4+s2], $0x80, v3, vm0, $0xb8;
	[tilespmem:$0x10100] =	vst v63  }
0x29: {  	_ = 	snop  }
0x2a: {  	[tilespmem:s26], [sflag:$0x1] =	stream.indirect_vreg.gather [hbm4b:s6+s2], $0x80, v3, vm0, $0xb8;
	[tilespmem:$0x10100] =	vst v63  }
0x2b: {  	_ = 	snop  }
0x2c: {  	[tilespmem:s28], [sflag:$0x1] =	stream.indirect_vreg.gather [hbm4b:s7+s2], $0x80, v3, vm0, $0xb8;
	[tilespmem:$0x10100] =	vst v63  }
0x2d: {  	v3 =	vld [tilespmem:$0x10];
	_ =	sdelay $0x4  }
0x2e: {  	v57 =	vshll.u32 v3, $0x3  }
0x2f: {  	v3 =	vand.u32 $0x7, v3;
	v4 =	vand.u32 $0xFFFFFFC0, v57  }
0x30: {  	v3 =	vor.u32 v3, v4  }
0x31: {  	v4 =	vperm.xlane v3, v0;
	_ =	sdelay $0x1  }
0x32: {  	v4 =	vadd.s32 v1, v4;
	_ =	sdelay $0x4  }
0x33: {  	[tilespmem:s29], [sflag:$0x1] =	stream.indirect_vreg.gather [hbm4b:s3+s2], $0x80, v4, vm0, $0xb8;
	[tilespmem:$0x10100] =	vst v63  }
0x34: {  	v3 =	vperm.xlane v3, v2  }
0x35: {  	[tilespmem:s30], [sflag:$0x1] =	stream.indirect_vreg.gather [hbm4b:s4+s2], $0x80, v4, vm0, $0xb8;
	[tilespmem:$0x10100] =	vst v63  }
0x36: {  	v3 =	vadd.s32 v1, v3  }
0x37: {  	[tilespmem:s31], [sflag:$0x1] =	stream.indirect_vreg.gather [hbm4b:s6+s2], $0x80, v4, vm0, $0xb8;
	[tilespmem:$0x10100] =	vst v63  }
0x38: {  	s1 =	simm.s32 $0x5900  }
0x39: {  	[tilespmem:s1], [sflag:$0x1] =	stream.indirect_vreg.gather [hbm4b:s7+s2], $0x80, v4, vm0, $0xb8;
	[tilespmem:$0x10100] =	vst v63  }
0x3a: {  	s1 =	simm.s32 $0x6100  }
0x3b: {  	[tilespmem:s1], [sflag:$0x1] =	stream.indirect_vreg.gather [hbm4b:s3+s2], $0x80, v3, vm0, $0xb8;
	[tilespmem:$0x10100] =	vst v63  }
0x3c: {  	_ = 	snop  }
0x3d: {  	[tilespmem:s11], [sflag:$0x1] =	stream.indirect_vreg.gather [hbm4b:s4+s2], $0x80, v3, vm0, $0xb8;
	[tilespmem:$0x10100] =	vst v63  }
0x3e: {  	_ = 	snop  }
0x3f: {  	[tilespmem:s12], [sflag:$0x1] =	stream.indirect_vreg.gather [hbm4b:s6+s2], $0x80, v3, vm0, $0xb8;
	[tilespmem:$0x10100] =	vst v63  }
0x40: {  	_ = 	snop  }
0x41: {  	[tilespmem:s13], [sflag:$0x1] =	stream.indirect_vreg.gather [hbm4b:s7+s2], $0x80, v3, vm0, $0xb8;
	[tilespmem:$0x10100] =	vst v63  }
0x42: {  	v3 =	vld [tilespmem:$0x20];
	_ =	sdelay $0x4  }
0x43: {  	v58 =	vshll.u32 v3, $0x3  }
0x44: {  	v3 =	vand.u32 $0x7, v3;
	v4 =	vand.u32 $0xFFFFFFC0, v58  }
0x45: {  	v3 =	vor.u32 v3, v4  }
0x46: {  	v4 =	vperm.xlane v3, v0;
	_ =	sdelay $0x1  }
0x47: {  	v4 =	vadd.s32 v1, v4;
	_ =	sdelay $0x4  }
0x48: {  	[tilespmem:s5], [sflag:$0x1] =	stream.indirect_vreg.gather [hbm4b:s3+s2], $0x80, v4, vm0, $0xb8;
	[tilespmem:$0x10100] =	vst v63  }
0x49: {  	v3 =	vperm.xlane v3, v2  }
0x4a: {  	[tilespmem:s14], [sflag:$0x1] =	stream.indirect_vreg.gather [hbm4b:s4+s2], $0x80, v4, vm0, $0xb8;
	[tilespmem:$0x10100] =	vst v63  }
0x4b: {  	v3 =	vadd.s32 v1, v3  }
0x4c: {  	[tilespmem:s15], [sflag:$0x1] =	stream.indirect_vreg.gather [hbm4b:s6+s2], $0x80, v4, vm0, $0xb8;
	[tilespmem:$0x10100] =	vst v63  }
0x4d: {  	_ = 	snop  }
0x4e: {  	[tilespmem:s16], [sflag:$0x1] =	stream.indirect_vreg.gather [hbm4b:s7+s2], $0x80, v4, vm0, $0xb8;
	[tilespmem:$0x10100] =	vst v63  }
0x4f: {  	_ = 	snop  }
0x50: {  	[tilespmem:s17], [sflag:$0x1] =	stream.indirect_vreg.gather [hbm4b:s3+s2], $0x80, v3, vm0, $0xb8;
	[tilespmem:$0x10100] =	vst v63  }
0x51: {  	_ = 	snop  }
0x52: {  	[tilespmem:s18], [sflag:$0x1] =	stream.indirect_vreg.gather [hbm4b:s4+s2], $0x80, v3, vm0, $0xb8;
	[tilespmem:$0x10100] =	vst v63  }
0x53: {  	_ = 	snop  }
0x54: {  	[tilespmem:s10], [sflag:$0x1] =	stream.indirect_vreg.gather [hbm4b:s6+s2], $0x80, v3, vm0, $0xb8;
	[tilespmem:$0x10100] =	vst v63  }
0x55: {  	s20 =	simm.s32 $0xB900  }
0x56: {  	[tilespmem:s20], [sflag:$0x1] =	stream.indirect_vreg.gather [hbm4b:s7+s2], $0x80, v3, vm0, $0xb8;
	[tilespmem:$0x10100] =	vst v63  }
0x57: {  	v3 =	vld [tilespmem:$0x30];
	_ =	sdelay $0x4  }
0x58: {  	v59 =	vshll.u32 v3, $0x3  }
0x59: {  	v3 =	vand.u32 $0x7, v3;
	v4 =	vand.u32 $0xFFFFFFC0, v59  }
0x5a: {  	v3 =	vor.u32 v3, v4  }
0x5b: {  	v4 =	vperm.xlane v3, v0;
	_ =	sdelay $0x1  }
0x5c: {  	v4 =	vadd.s32 v1, v4;
	_ =	sdelay $0x3  }
0x5d: {  	s20 =	simm.s32 $0xC100  }
0x5e: {  	[tilespmem:s20], [sflag:$0x1] =	stream.indirect_vreg.gather [hbm4b:s3+s2], $0x80, v4, vm0, $0xb8;
	[tilespmem:$0x10100] =	vst v63  }
0x5f: {  	v3 =	vperm.xlane v3, v2;
	s20 =	simm.s32 $0xC900  }
0x60: {  	[tilespmem:s20], [sflag:$0x1] =	stream.indirect_vreg.gather [hbm4b:s4+s2], $0x80, v4, vm0, $0xb8;
	[tilespmem:$0x10100] =	vst v63  }
0x61: {  	v3 =	vadd.s32 v1, v3;
	s20 =	simm.s32 $0xD100  }
0x62: {  	[tilespmem:s20], [sflag:$0x1] =	stream.indirect_vreg.gather [hbm4b:s6+s2], $0x80, v4, vm0, $0xb8;
	[tilespmem:$0x10100] =	vst v63  }
0x63: {  	s20 =	simm.s32 $0xD900  }
0x64: {  	[tilespmem:s20], [sflag:$0x1] =	stream.indirect_vreg.gather [hbm4b:s7+s2], $0x80, v4, vm0, $0xb8;
	[tilespmem:$0x10100] =	vst v63  }
0x65: {  	s20 =	simm.s32 $0xE100  }
0x66: {  	[tilespmem:s20], [sflag:$0x1] =	stream.indirect_vreg.gather [hbm4b:s3+s2], $0x80, v3, vm0, $0xb8;
	[tilespmem:$0x10100] =	vst v63  }
0x67: {  	s20 =	simm.s32 $0xE900  }
0x68: {  	[tilespmem:s20], [sflag:$0x1] =	stream.indirect_vreg.gather [hbm4b:s4+s2], $0x80, v3, vm0, $0xb8;
	[tilespmem:$0x10100] =	vst v63  }
0x69: {  	s20 =	simm.s32 $0xF100  }
0x6a: {  	[tilespmem:s20], [sflag:$0x1] =	stream.indirect_vreg.gather [hbm4b:s6+s2], $0x80, v3, vm0, $0xb8;
	[tilespmem:$0x10100] =	vst v63  }
0x6b: {  	s20 =	simm.s32 $0xF900  }
0x6c: {  	[tilespmem:s20], [sflag:$0x1] =	stream.indirect_vreg.gather [hbm4b:s7+s2], $0x80, v3, vm0, $0xb8;
	[tilespmem:$0x10100] =	vst v63  }
0x6d: {  	_ =	swait.ge [sflag:s19], $0x10000  }
0x6e: {  	[sflag:s19] =	ssyncset.done $0x0  }
0x6f: {  	s20 =	rddreg [dreg:$0x5];
	[sflag:s19] =	ssyncadd.s32 $0xFFFF0000  }
0x70: {  	[hbm4b:s20+s2] =	stream.linear.scatter [tilespmem:s0], [sflag:$0x2], $0x10000, $0x38;
	[tilespmem:$0x10100] =	vst v63  }
0x71: {  	_ =	swait.ge [sflag:s9], $0x10000  }
0x72: {  	[sflag:s9] =	ssyncset.done $0x0  }
0x73: {  	[sflag:s9] =	ssyncadd.s32 $0xFFFF0000  }
0x74: {  	v3 =	vld [tilespmem:$0x80];
	_ =	sdelay $0x4  }
0x75: {  	v60 =	vshll.u32 v3, $0x3  }
0x76: {  	v3 =	vand.u32 $0x7, v3;
	v4 =	vand.u32 $0xFFFFFFC0, v60  }
0x77: {  	v3 =	vor.u32 v3, v4  }
0x78: {  	v4 =	vperm.xlane v3, v0;
	_ =	sdelay $0x1  }
0x79: {  	v4 =	vadd.s32 v1, v4;
	_ =	sdelay $0x4  }
0x7a: {  	[tilespmem:s0], [sflag:$0x1] =	stream.indirect_vreg.gather [hbm4b:s3+s2], $0x80, v4, vm0, $0xb8;
	[tilespmem:$0x10100] =	vst v63  }
0x7b: {  	v3 =	vperm.xlane v3, v2  }
0x7c: {  	[tilespmem:s21], [sflag:$0x1] =	stream.indirect_vreg.gather [hbm4b:s4+s2], $0x80, v4, vm0, $0xb8;
	[tilespmem:$0x10100] =	vst v63  }
0x7d: {  	v3 =	vadd.s32 v1, v3  }
0x7e: {  	[tilespmem:s22], [sflag:$0x1] =	stream.indirect_vreg.gather [hbm4b:s6+s2], $0x80, v4, vm0, $0xb8;
	[tilespmem:$0x10100] =	vst v63  }
0x7f: {  	_ = 	snop  }
0x80: {  	[tilespmem:s23], [sflag:$0x1] =	stream.indirect_vreg.gather [hbm4b:s7+s2], $0x80, v4, vm0, $0xb8;
	[tilespmem:$0x10100] =	vst v63  }
0x81: {  	_ = 	snop  }
0x82: {  	[tilespmem:s24], [sflag:$0x1] =	stream.indirect_vreg.gather [hbm4b:s3+s2], $0x80, v3, vm0, $0xb8;
	[tilespmem:$0x10100] =	vst v63  }
0x83: {  	_ = 	snop  }
0x84: {  	[tilespmem:s25], [sflag:$0x1] =	stream.indirect_vreg.gather [hbm4b:s4+s2], $0x80, v3, vm0, $0xb8;
	[tilespmem:$0x10100] =	vst v63  }
0x85: {  	_ = 	snop  }
0x86: {  	[tilespmem:s26], [sflag:$0x1] =	stream.indirect_vreg.gather [hbm4b:s6+s2], $0x80, v3, vm0, $0xb8;
	[tilespmem:$0x10100] =	vst v63  }
0x87: {  	_ = 	snop  }
0x88: {  	[tilespmem:s28], [sflag:$0x1] =	stream.indirect_vreg.gather [hbm4b:s7+s2], $0x80, v3, vm0, $0xb8;
	[tilespmem:$0x10100] =	vst v63  }
0x89: {  	v3 =	vld [tilespmem:$0x90];
	_ =	sdelay $0x4  }
0x8a: {  	v61 =	vshll.u32 v3, $0x3  }
0x8b: {  	v3 =	vand.u32 $0x7, v3;
	v4 =	vand.u32 $0xFFFFFFC0, v61  }
0x8c: {  	v3 =	vor.u32 v3, v4  }
0x8d: {  	v4 =	vperm.xlane v3, v0;
	_ =	sdelay $0x1  }
0x8e: {  	v4 =	vadd.s32 v1, v4;
	_ =	sdelay $0x4  }
0x8f: {  	[tilespmem:s29], [sflag:$0x1] =	stream.indirect_vreg.gather [hbm4b:s3+s2], $0x80, v4, vm0, $0xb8;
	[tilespmem:$0x10100] =	vst v63  }
0x90: {  	v3 =	vperm.xlane v3, v2  }
0x91: {  	[tilespmem:s30], [sflag:$0x1] =	stream.indirect_vreg.gather [hbm4b:s4+s2], $0x80, v4, vm0, $0xb8;
	[tilespmem:$0x10100] =	vst v63  }
0x92: {  	v3 =	vadd.s32 v1, v3  }
0x93: {  	[tilespmem:s31], [sflag:$0x1] =	stream.indirect_vreg.gather [hbm4b:s6+s2], $0x80, v4, vm0, $0xb8;
	[tilespmem:$0x10100] =	vst v63  }
0x94: {  	s20 =	simm.s32 $0x5900  }
0x95: {  	[tilespmem:s20], [sflag:$0x1] =	stream.indirect_vreg.gather [hbm4b:s7+s2], $0x80, v4, vm0, $0xb8;
	[tilespmem:$0x10100] =	vst v63  }
0x96: {  	_ = 	snop  }
0x97: {  	[tilespmem:s1], [sflag:$0x1] =	stream.indirect_vreg.gather [hbm4b:s3+s2], $0x80, v3, vm0, $0xb8;
	[tilespmem:$0x10100] =	vst v63  }
0x98: {  	_ = 	snop  }
0x99: {  	[tilespmem:s11], [sflag:$0x1] =	stream.indirect_vreg.gather [hbm4b:s4+s2], $0x80, v3, vm0, $0xb8;
	[tilespmem:$0x10100] =	vst v63  }
0x9a: {  	_ = 	snop  }
0x9b: {  	[tilespmem:s12], [sflag:$0x1] =	stream.indirect_vreg.gather [hbm4b:s6+s2], $0x80, v3, vm0, $0xb8;
	[tilespmem:$0x10100] =	vst v63  }
0x9c: {  	_ = 	snop  }
0x9d: {  	[tilespmem:s13], [sflag:$0x1] =	stream.indirect_vreg.gather [hbm4b:s7+s2], $0x80, v3, vm0, $0xb8;
	[tilespmem:$0x10100] =	vst v63  }
0x9e: {  	v3 =	vld [tilespmem:$0xA0];
	_ =	sdelay $0x4  }
0x9f: {  	v62 =	vshll.u32 v3, $0x3  }
0xa0: {  	v3 =	vand.u32 $0x7, v3;
	v4 =	vand.u32 $0xFFFFFFC0, v62  }
0xa1: {  	v3 =	vor.u32 v3, v4  }
0xa2: {  	v4 =	vperm.xlane v3, v0;
	_ =	sdelay $0x1  }
0xa3: {  	v4 =	vadd.s32 v1, v4;
	_ =	sdelay $0x4  }
0xa4: {  	[tilespmem:s5], [sflag:$0x1] =	stream.indirect_vreg.gather [hbm4b:s3+s2], $0x80, v4, vm0, $0xb8;
	[tilespmem:$0x10100] =	vst v63  }
0xa5: {  	v3 =	vperm.xlane v3, v2  }
0xa6: {  	[tilespmem:s14], [sflag:$0x1] =	stream.indirect_vreg.gather [hbm4b:s4+s2], $0x80, v4, vm0, $0xb8;
	[tilespmem:$0x10100] =	vst v63  }
0xa7: {  	v3 =	vadd.s32 v1, v3  }
0xa8: {  	[tilespmem:s15], [sflag:$0x1] =	stream.indirect_vreg.gather [hbm4b:s6+s2], $0x80, v4, vm0, $0xb8;
	[tilespmem:$0x10100] =	vst v63  }
0xa9: {  	_ = 	snop  }
0xaa: {  	[tilespmem:s16], [sflag:$0x1] =	stream.indirect_vreg.gather [hbm4b:s7+s2], $0x80, v4, vm0, $0xb8;
	[tilespmem:$0x10100] =	vst v63  }
0xab: {  	_ = 	snop  }
0xac: {  	[tilespmem:s17], [sflag:$0x1] =	stream.indirect_vreg.gather [hbm4b:s3+s2], $0x80, v3, vm0, $0xb8;
	[tilespmem:$0x10100] =	vst v63  }
0xad: {  	_ = 	snop  }
0xae: {  	[tilespmem:s18], [sflag:$0x1] =	stream.indirect_vreg.gather [hbm4b:s4+s2], $0x80, v3, vm0, $0xb8;
	[tilespmem:$0x10100] =	vst v63  }
0xaf: {  	_ = 	snop  }
0xb0: {  	[tilespmem:s10], [sflag:$0x1] =	stream.indirect_vreg.gather [hbm4b:s6+s2], $0x80, v3, vm0, $0xb8;
	[tilespmem:$0x10100] =	vst v63  }
0xb1: {  	s20 =	simm.s32 $0xB900  }
0xb2: {  	[tilespmem:s20], [sflag:$0x1] =	stream.indirect_vreg.gather [hbm4b:s7+s2], $0x80, v3, vm0, $0xb8;
	[tilespmem:$0x10100] =	vst v63  }
0xb3: {  	v3 =	vld [tilespmem:$0xB0];
	_ =	sdelay $0x4  }
0xb4: {  	v63 =	vshll.u32 v3, $0x3  }
0xb5: {  	v3 =	vand.u32 $0x7, v3;
	v4 =	vand.u32 $0xFFFFFFC0, v63  }
0xb6: {  	v3 =	vor.u32 v3, v4  }
0xb7: {  	v4 =	vperm.xlane v3, v0;
	_ =	sdelay $0x1  }
0xb8: {  	v4 =	vadd.s32 v1, v4;
	_ =	sdelay $0x3  }
0xb9: {  	s20 =	simm.s32 $0xC100  }
0xba: {  	[tilespmem:s20], [sflag:$0x1] =	stream.indirect_vreg.gather [hbm4b:s3+s2], $0x80, v4, vm0, $0xb8;
	[tilespmem:$0x10100] =	vst v63  }
0xbb: {  	v3 =	vperm.xlane v3, v2;
	s20 =	simm.s32 $0xC900  }
0xbc: {  	[tilespmem:s20], [sflag:$0x1] =	stream.indirect_vreg.gather [hbm4b:s4+s2], $0x80, v4, vm0, $0xb8;
	[tilespmem:$0x10100] =	vst v63  }
0xbd: {  	v3 =	vadd.s32 v1, v3;
	s20 =	simm.s32 $0xD100  }
0xbe: {  	[tilespmem:s20], [sflag:$0x1] =	stream.indirect_vreg.gather [hbm4b:s6+s2], $0x80, v4, vm0, $0xb8;
	[tilespmem:$0x10100] =	vst v63  }
0xbf: {  	s20 =	simm.s32 $0xD900  }
0xc0: {  	[tilespmem:s20], [sflag:$0x1] =	stream.indirect_vreg.gather [hbm4b:s7+s2], $0x80, v4, vm0, $0xb8;
	[tilespmem:$0x10100] =	vst v63  }
0xc1: {  	s20 =	simm.s32 $0xE100  }
0xc2: {  	[tilespmem:s20], [sflag:$0x1] =	stream.indirect_vreg.gather [hbm4b:s3+s2], $0x80, v3, vm0, $0xb8;
	[tilespmem:$0x10100] =	vst v63  }
0xc3: {  	s20 =	simm.s32 $0xE900  }
0xc4: {  	[tilespmem:s20], [sflag:$0x1] =	stream.indirect_vreg.gather [hbm4b:s4+s2], $0x80, v3, vm0, $0xb8;
	[tilespmem:$0x10100] =	vst v63  }
0xc5: {  	s20 =	simm.s32 $0xF100  }
0xc6: {  	[tilespmem:s20], [sflag:$0x1] =	stream.indirect_vreg.gather [hbm4b:s6+s2], $0x80, v3, vm0, $0xb8;
	[tilespmem:$0x10100] =	vst v63  }
0xc7: {  	s20 =	simm.s32 $0xF900  }
0xc8: {  	[tilespmem:s20], [sflag:$0x1] =	stream.indirect_vreg.gather [hbm4b:s7+s2], $0x80, v3, vm0, $0xb8;
	[tilespmem:$0x10100] =	vst v63  }
0xc9: {  	_ =	swait.ge [sflag:s19], $0x10000  }
0xca: {  	p0 =	sne.s32 s8, $0x1;
	[sflag:s19] =	ssyncset.done $0x0  }
.Ltmp0:
0xcb: {  	s1 =	rddreg [dreg:$0x4];
	[sflag:s19] =	ssyncadd.s32 $0xFFFF0000;
	(pc) =	sbr.rel @p0 .LBB2_1-.Ltmp0, $4  }
0xcc: {  	[hbm4b:s1+s2] =	stream.linear.scatter [tilespmem:s0], [sflag:$0x2], $0x10000, $0x38;
	[tilespmem:$0x10100] =	vst v63  }
0xcd: {  	_ =	swait.ge [sflag:s9], $0x10000  }
0xce: {  	[sflag:s9] =	ssyncset.done $0x0  }
0xcf: {  	s8 =	sadd.s32 $0xFFFFFFFF, s8;
	[sflag:s9] =	ssyncadd.s32 $0xFFFF0000  }
0xd0: {  	_ =	sfence.sel $0x180000  }
0xd1: {  	[bflag:$0x0] =	sbarrier.arrive $0xFFFF  }
0xd2: {  	_ =	strace $0x9000004D  }
0xd3: {  	s0 =	stileid.u32;
	[bflag:$0x2] =	sbarrier.arrive $0xFFFF  }
0xd4: {  	p0 =	sne.s32 s0, $0x0;
	s0 =	rddreg [dreg:$0x2]  }
0xd5: {  	s0 =	sadd.s32 @!p0 $0x100000, s0  }
0xd6: {  	[sflag:s0] =	ssyncadd.tile.s32 @!p0 $0x1;
	_ =	shalt  }
.Lfunc_end2:
_tile_overlayer_lowered:
.L_overlay_start_2:
0xd7: {  	(tag) =	ssettag $0x2  }
0xd8: {  	s0 =	rddreg [dreg:$0x0];
	s2 =	stileid.u32  }
0xd9: {  	s1 =	rddreg [dreg:$0x1];
	p0 =	sne.s32 s2, $0x0  }
0xda: {  	s3 =	rddreg [dreg:$0x2];
	[bflag:$0x3] =	sbarrier.arrive $0xFFFF;
	s2 =	simm.s32 @!p0 $0x1C02  }
0xdb: {  	[timem:s3], [sflag:s2] =	dma.local @!p0 [hbm:s0], s1  }
0xdc: {  	s0 =	simm.s32 @!p0 $0x2  }
0xdd: {  	_ =	swait.ge @!p0 [sflag:s0], s1  }
0xde: {  	s1 =	ssub.s32 @!p0 $0x0, s1;
	[sflag:s0] =	ssyncset.done @!p0 $0x0  }
0xdf: {  	[sflag:s0] =	ssyncadd.s32 @!p0 s1  }
0xe0: {  	[bflag:$0x3] =	sbarrier.arrive $0xFFFF  }
0xe1: {  	_ =	shalt  }

// kernel: scatter_offload_async_start
scs
__scs_entry_jumppad:
0x0: {  	(pc) =	sbr.rel $0x88, $3  }
0x1: {  	(tag) =	ssettag $0x0;
	lr =	simm.s32 $0x1  }
0x2: {  	[smem:$0x3F9D] =	sst lr;
	_ =	strace $0xD0000000  }
0x3: {  	_ = 	snop  }
0x4: {  	_ = 	snop  }
0x5: {  	_ = 	snop  }
0x6: {  	_ = 	snop  }
0x7: {  	_ = 	snop  }
__scs_overlays_trampoline_lowered:
0x8: {  	[smem:$0x3FAC] =	sst s0  }
0x9: {  	[smem:$0x3FAD] =	sst s1  }
0xa: {  	[smem:$0x3FAE] =	sst s2  }
0xb: {  	[smem:$0x3FAF] =	sst s3  }
0xc: {  	[smem:$0x3FB0] =	sst s4  }
0xd: {  	[smem:$0x3FB1] =	sst s5  }
0xe: {  	[smem:$0x3FB2] =	sst s6  }
0xf: {  	[smem:$0x3FB3] =	sst s7  }
0x10: {  	[smem:$0x3FB4] =	sst s8  }
0x11: {  	[smem:$0x3FB5] =	sst s9;
	s0 =	simm.s32 @!p0 $0x0  }
0x12: {  	s1 =	sld [smem:$0x3F9B];
	s0 =	simm.s32 @p0 $0x1  }
0x13: {  	[smem:$0x3FB6] =	sst s0;
	s0 =	simm.s32 @!p1 $0x0  }
0x14: {  	s2 =	sld [smem:$0x3F9A];
	s0 =	simm.s32 @p1 $0x1  }
0x15: {  	[smem:$0x3FB7] =	sst s0;
	s0 =	simm.s32 @!p2 $0x0  }
0x16: {  	s3 =	sld [smem:$0x3FDB];
	s0 =	simm.s32 @p2 $0x1  }
0x17: {  	s4 =	simm.s32 $0x1BF5;
	[smem:$0x3FB9] =	sst s0  }
0x18: {  	s0 =	sld [smem:$0x3F9C];
	_ =	swait.ge [sflag:s4], $0x0  }
0x19: {  	s7 =	sld [smem:$0x3F9D]  }
0x1a: {  	s8 =	sadd.s32 $0xFFFFE003, lr  }
0x1b: {  	s9 =	sadd.s32 $0xFFFFFEF7, lr;
	s5 =	simm.s32 $0xFFFFFFFF;
	p2 =	slt.u32 s8, $0xFFFFF086  }
0x1c: {  	p1 =	slt.u32 s9, $0xF7A;
	s5 =	simm.s32 @!p2 $0x0  }
0x1d: {  	s5 =	simm.s32 @p1 $0x1;
	p0 =	seq.s32 s7, s2  }
0x1e: {  	s7 =	smul.u32 @!p0 $0xF7A, s2;
	p2 =	seq.s32 @!p0 s5, $0x0  }
0x1f: {  	s9 =	smul.u32 $0xF7A, s1;
	s8 =	simm.s32 @!p0 $0x1BF5;
	p2 =	por !p2, p0  }
0x20: {  	[sflag:s8] =	ssyncset.s32 @!p0 $0xFFFFF086;
	s6 =	sadd.s32 @!p0 s3, s7;
	s7 =	simm.s32 @!p0 $0x108  }
0x21: {  	s3 =	sadd.s32 s3, s9;
	s6 =	sadd.s32 @!p0 $0x88, s6;
	s7 =	simm.s32 @p2 $0x1082  }
0x22: {  	[simem:s7], [sflag:s8] =	dma.local @!p0 [hbm:s6], $0xF7A  }
0x23: {  	s9 =	sor.u32 $0xD0000000, s2;
	s6 =	simm.s32 $0x108;
	_ =	swait.ge @!p0 [sflag:s8], $0x0  }
0x24: {  	s3 =	sadd.s32 $0x88, s3;
	s6 =	simm.s32 @!p1 $0x1082;
	[sflag:s4] =	ssyncset.s32 $0xFFFFF086  }
0x25: {  	[simem:s6], [sflag:s4] =	dma.local [hbm:s3], $0xF7A  }
0x26: {  	[smem:$0x3F9D] =	sst s1;
	(tag) =	ssettag s2;
	_ =	strace s9  }
0x27: {  	s1 =	sld [smem:$0x3FAD]  }
0x28: {  	s2 =	sld [smem:$0x3FAE]  }
0x29: {  	s4 =	sld [smem:$0x3FB0]  }
0x2a: {  	p0 =	seq.s32 s5, $0x0;
	s5 =	sld [smem:$0x3FB1]  }
0x2b: {  	s6 =	sld [smem:$0x3FB2]  }
0x2c: {  	s7 =	sld [smem:$0x3FB3]  }
0x2d: {  	s3 =	simm.s32 $0x108;
	s8 =	sld [smem:$0x3FB4]  }
0x2e: {  	s3 =	simm.s32 @!p0 $0x1082;
	s9 =	sld [smem:$0x3FB5]  }
0x2f: {  	lr =	sadd.s32 s0, s3;
	s0 =	sld [smem:$0x3FAC]  }
0x30: {  	s3 =	sld [smem:$0x3FAF]  }
0x31: {  	[smem:$0x3FB8] =	sst s10  }
0x32: {  	s10 =	sld [smem:$0x3FB6];
	_ =	sdelay $0x3  }
0x33: {  	p0 =	seq.s32 s10, $0x1;
	s10 =	sld [smem:$0x3FB8];
	_ =	sdelay $0x3  }
0x34: {  	[smem:$0x3FB8] =	sst s10  }
0x35: {  	s10 =	sld [smem:$0x3FB7];
	_ =	sdelay $0x3  }
0x36: {  	p1 =	seq.s32 s10, $0x1;
	s10 =	sld [smem:$0x3FB8];
	_ =	sdelay $0x3  }
0x37: {  	[smem:$0x3FB8] =	sst s10  }
0x38: {  	s10 =	sld [smem:$0x3FB9]  }
0x39: {  	_ = 	snop;
	(pc) =	sbr.ind lr, $3  }
0x3a: {  	_ = 	snop  }
0x3b: {  	_ = 	snop  }
0x3c: {  	p2 =	seq.s32 s10, $0x1;
	s10 =	sld [smem:$0x3FB8]  }
0x3d: {  	_ =	shalt  }
0x3e: {  	_ =	shalt  }
0x3f: {  	_ =	shalt  }
0x40: {  	_ =	shalt  }
0x41: {  	_ =	shalt  }
0x42: {  	_ =	shalt  }
0x43: {  	_ =	shalt  }
0x44: {  	_ =	shalt  }
0x45: {  	_ =	shalt  }
0x46: {  	_ =	shalt  }
0x47: {  	_ =	shalt  }
0x48: {  	_ =	shalt  }
0x49: {  	_ =	shalt  }
0x4a: {  	_ =	shalt  }
0x4b: {  	_ =	shalt  }
0x4c: {  	_ =	shalt  }
0x4d: {  	_ =	shalt  }
0x4e: {  	_ =	shalt  }
0x4f: {  	_ =	shalt  }
0x50: {  	_ =	shalt  }
0x51: {  	_ =	shalt  }
0x52: {  	_ =	shalt  }
0x53: {  	_ =	shalt  }
0x54: {  	_ =	shalt  }
0x55: {  	_ =	shalt  }
0x56: {  	_ =	shalt  }
0x57: {  	_ =	shalt  }
0x58: {  	_ =	shalt  }
0x59: {  	_ =	shalt  }
0x5a: {  	_ =	shalt  }
0x5b: {  	_ =	shalt  }
0x5c: {  	_ =	shalt  }
0x5d: {  	_ =	shalt  }
0x5e: {  	_ =	shalt  }
0x5f: {  	_ =	shalt  }
0x60: {  	_ =	shalt  }
0x61: {  	_ =	shalt  }
0x62: {  	_ =	shalt  }
0x63: {  	_ =	shalt  }
0x64: {  	_ =	shalt  }
0x65: {  	_ =	shalt  }
0x66: {  	_ =	shalt  }
0x67: {  	_ =	shalt  }
0x68: {  	_ =	shalt  }
0x69: {  	_ =	shalt  }
0x6a: {  	_ =	shalt  }
0x6b: {  	_ =	shalt  }
0x6c: {  	_ =	shalt  }
0x6d: {  	_ =	shalt  }
0x6e: {  	_ =	shalt  }
0x6f: {  	_ =	shalt  }
0x70: {  	_ =	shalt  }
0x71: {  	_ =	shalt  }
0x72: {  	_ =	shalt  }
0x73: {  	_ =	shalt  }
0x74: {  	_ =	shalt  }
0x75: {  	_ =	shalt  }
0x76: {  	_ =	shalt  }
0x77: {  	_ =	shalt  }
0x78: {  	_ =	shalt  }
0x79: {  	_ =	shalt  }
0x7a: {  	_ =	shalt  }
0x7b: {  	_ =	shalt  }
0x7c: {  	_ =	shalt  }
0x7d: {  	_ =	shalt  }
0x7e: {  	_ =	shalt  }
0x7f: {  	_ =	shalt  }
0x80: {  	_ =	shalt  }
0x81: {  	_ =	shalt  }
0x82: {  	_ =	shalt  }
0x83: {  	_ =	shalt  }
0x84: {  	_ =	shalt  }
0x85: {  	_ =	shalt  }
0x86: {  	_ =	shalt  }
0x87: {  	_ =	shalt  }
.Lfunc_end0:
.L_simem_size_0:
called_computation_lowered:
.L_overlay_start_0:
0x88: {  	s0 =	sld [smem:$0x3FD9]  }
0x89: {  	s1 =	sld [smem:$0x3FFE];
	_ =	sdelay $0x3  }
0x8a: {  	s0 =	sadd.s32 s1, s0  }
0x8b: {  	[smem:$0x3FC4] =	sst s0  }
0x8c: {  	_ = 	snop  }
0x8d: {  	(tm) =	ssettm $0x1  }
0x8e: {  	s15 =	sld [smem:$0x3FFB];
	_ =	sdelay $0x3  }
0x8f: {  	_ =	strace s15  }
0x90: {  	s0 =	sld [smem:$0x3FFC];
	_ =	sdelay $0x3  }
0x91: {  	_ =	strace s0  }
0x92: {  	s0 =	sld [smem:$0x3FFD];
	_ =	sdelay $0x3  }
0x93: {  	_ =	strace s0  }
0x94: {  	_ =	strace $0x8FFFFFFF  }
0x95: {  	s16 =	sld [smem:$0x3FDB];
	_ =	sdelay $0x1  }
0x96: {  	s17 =	simm.s32 $_scs_section_size  }
0x97: {  	s2 =	simm.s32 $_size__tile_overlayer_lowered;
	s3 =	simm.s32 $_tile_overlayer_lowered  }
0x98: {  	s20 =	simm.s32 $0x1BFF;
	s19 =	sshll.u32 s3, $0x1;
	s0 =	sadd.s32 s17, s16  }
0x99: {  	s4 =	simm.s32 $0x0;
	s18 =	sshll.u32 s2, $0x1;
	s2 =	sadd.s32 s19, s0  }
0x9a: {  	[timem:s4], [sflag:s20] =	dma.local [hbm:s2], s18  }
0x9b: {  	_ =	swait.ge [sflag:s20], s18  }
0x9c: {  	s1 =	ssub.s32 $0x0, s18;
	[sflag:s20] =	ssyncset.done $0x0  }
0x9d: {  	[sflag:s20] =	ssyncadd.s32 s1;
	_ =	sdelay $0x1  }
0x9e: {  	s21 =	simm.s32 $0x1B8B  }
0x9f: {  	_ =	swait.ge [sflag:s21], $0x1  }
0xa0: {  	[sflag:s21] =	ssyncset.done $0x0  }
0xa1: {  	s23 =	simm.s32 $0x1B8E;
	s22 =	sld [smem:$0x3FFE];
	[sflag:s21] =	ssyncadd.s32 $0xFFFFFFFF  }
0xa2: {  	s24 =	simm.s32 $execute0_lowered;
	[smem:$0x3FD2] =	sst s23  }
0xa3: {  	s2 =	sshll.u32 s24, $0x1;
	_ =	strace $0x80000046;
	[dreg:$0x1] =	wrdreg $0xFFFFFFFF  }
0xa4: {  	s25 =	simm.s32 $_size_execute0_lowered;
	s0 =	sadd.s32 s0, s2;
	[dreg:$0x0] =	wrdreg $0x0  }
0xa5: {  	s2 =	sshll.u32 s25, $0x1;
	[dreg:$0x2] =	wrdreg s0  }
0xa6: {  	[dreg:$0x3] =	wrdreg s2  }
0xa7: {  	[dreg:$0x4] =	wrdreg $0xC0  }
0xa8: {  	_ =	task [dreg:s4], $0x5FFFF  }
0xa9: {  	[dreg:$0x1] =	wrdreg $0xFFFFFFFF  }
0xaa: {  	[dreg:$0x0] =	wrdreg $0x60  }
0xab: {  	[dreg:$0x2] =	wrdreg s22  }
0xac: {  	[dreg:$0x3] =	wrdreg $0x9  }
0xad: {  	_ =	task.clear_ibuf [dreg:s4], $0x4FFFF;
	_ =	strace $0x90000046  }
0xae: {  	s26 =	simm.s32 $0x9;
	_ =	strace $0x80000048  }
0xaf: {  	_ =	swait.ge [sflag:s26], $0x1  }
0xb0: {  	[sflag:s26] =	ssyncadd.s32 $0xFFFFFFFF  }
0xb1: {  	_ =	strace $0x90000048  }
0xb2: {  	_ =	sfence  }
0xb3: {  	s28 =	sld [smem:$0x0];
	_ =	sdelay $0x1  }
0xb4: {  	s29 =	srdreg.scid  }
0xb5: {  	s30 =	sshll.u32 s29, $0xD;
	s31 =	sshrl.u32 s29, $0x2  }
0xb6: {  	s1 =	sand.u32 $0x1, s29;
	s2 =	sand.u32 $0x4000, s30;
	s0 =	sadd.s32 s31, s28  }
0xb7: {  	s1 =	sor.u32 s2, s1;
	s0 =	sshll.u32 s0, $0x11  }
0xb8: {  	s0 =	sor.u32 s0, s1  }
0xb9: {  	s0 =	sadd.s32 $0x8F2B, s0  }
0xba: {  	[sflag:s0] =	ssyncadd.remote.s32 $0x1  }
0xbb: {  	_ =	sfence.sel $0xFFFF  }
0xbc: {  	[dreg:$0x0] =	wrdreg $0xFFFFFFFF;
	(pc) =	sbr.abs _section_cstart, $3  }
0xbd: {  	[dreg:$0x1] =	wrdreg $0xFFFFFFFF  }
0xbe: {  	_ =	task.clear_ibuf [dreg:s4], $0x2FFFF;
	_ =	strace $0x9FFFFFFF  }
0xbf: {  	(tm) =	ssettm $0x7FFFFFFF  }
tec
execute0_lowered:
.L_overlay_start_1:
0x0: {  	(tag) =	ssettag $0x1  }
0x1: {  	s5 =	rddreg [dreg:$0x0]  }
0x2: {  	s0 =	rddreg [dreg:$0x1];
	_ =	strace $0x80000047;
	s6 =	stileid.u32  }
0x3: {  	s3 =	simm.s32 $0x3E;
	s1 =	sadd.s32 $0x600, s5;
	p0 =	sne.s32 s6, $0x0  }
0x4: {  	[sflag:s3] =	ssyncpa.u1 $0x0;
	s4 =	simm.s32 @!p0 $0x1C3E;
	s2 =	simm.s32 @!p0 $0x0  }
0x5: {  	[spmem:s2], [sflag:s4] =	dma.local @!p0 [hbm:s1], $0x10  }
0x6: {  	s4 =	simm.s32 @!p0 $0x3E  }
0x7: {  	_ =	swait.ge @!p0 [sflag:s4], $0x10  }
0x8: {  	[sflag:s4] =	ssyncset.done @!p0 $0x0  }
0x9: {  	[sflag:s4] =	ssyncadd.s32 @!p0 $0xFFFFFFF0  }
0xa: {  	s9 =	simm.s32 $0x108;
	s7 =	sadd.s32 $0x800, s5;
	[bflag:$0x0] =	sbarrier.arrive $0xFFFF  }
0xb: {  	s6 =	sshll.u32 s6, $0x5;
	[sflag:s3] =	ssyncpa.u1 $0x1;
	s3 =	simm.s32 $0x1  }
0xc: {  	s8 =	sadd.s32 s5, s6;
	s4 =	simm.s32 $0x2;
	[sflag:s3] =	ssyncpa.u1 $0x0  }
0xd: {  	s5 =	simm.s32 $0x0;
	(ifvalue) =	ssetifvalue $0x80;
	[sflag:s4] =	ssyncpa.u1 $0x0  }
0xe: {  	[tilespmem:s9], [sflag:$0x2] =	stream.linear.gather [hbm4b:s8+s5], $0x100, $0x38;
	[tilespmem:$0x408] =	vst v63  }
0xf: {  	s23 =	simm.s32 $0x308;
	s6 =	sadd.s32 s7, s6  }
0x10: {  	[tilespmem:s23], [sflag:$0x2] =	stream.linear.gather [hbm4b:s6+s5], $0x100, $0x38;
	[tilespmem:$0x408] =	vst v63  }
0x11: {  	_ =	swait.ge [sflag:s4], $0x200  }
0x12: {  	[sflag:s4] =	ssyncset.done $0x0  }
0x13: {  	[sflag:s4] =	ssyncadd.s32 $0xFFFFFE00  }
0x14: {  	v0 =	vld.msk [tilespmem:s9+$0x0 ss:$0x1], $0xffff;
	_ =	sdelay $0x4  }
0x15: {  	v0 =	vmin.u32 v0, $0x80;
	_ =	sdelay $0x3  }
0x16: {  	vm0 =	vmmov $0xffff;
	s24 =	simm.s32 $0x118  }
0x17: {  	[spmem:s5] =	stream.indirect_vreg.scatter.add.s32 [tilespmem:s23], [sflag:$0x1], $0x1, v0, vm0, $0x4038;
	[tilespmem:$0x408] =	vst v63  }
0x18: {  	v0 =	vld.msk [tilespmem:s24+$0x0 ss:$0x1], $0xffff;
	_ =	sdelay $0x4  }
0x19: {  	v0 =	vmin.u32 v0, $0x80;
	_ =	sdelay $0x3  }
0x1a: {  	s25 =	simm.s32 $0x318;
	s26 =	simm.s32 $0x128  }
0x1b: {  	[spmem:s5] =	stream.indirect_vreg.scatter.add.s32 [tilespmem:s25], [sflag:$0x1], $0x1, v0, vm0, $0x4038;
	[tilespmem:$0x408] =	vst v63  }
0x1c: {  	v0 =	vld.msk [tilespmem:s26+$0x0 ss:$0x1], $0xffff;
	_ =	sdelay $0x4  }
0x1d: {  	v0 =	vmin.u32 v0, $0x80;
	_ =	sdelay $0x3  }
0x1e: {  	s28 =	simm.s32 $0x328;
	s29 =	simm.s32 $0x138  }
0x1f: {  	[spmem:s5] =	stream.indirect_vreg.scatter.add.s32 [tilespmem:s28], [sflag:$0x1], $0x1, v0, vm0, $0x4038;
	[tilespmem:$0x408] =	vst v63  }
0x20: {  	v0 =	vld.msk [tilespmem:s29+$0x0 ss:$0x1], $0xffff;
	_ =	sdelay $0x4  }
0x21: {  	v0 =	vmin.u32 v0, $0x80;
	_ =	sdelay $0x3  }
0x22: {  	s30 =	simm.s32 $0x338;
	s31 =	simm.s32 $0x148  }
0x23: {  	[spmem:s5] =	stream.indirect_vreg.scatter.add.s32 [tilespmem:s30], [sflag:$0x1], $0x1, v0, vm0, $0x4038;
	[tilespmem:$0x408] =	vst v63  }
0x24: {  	v0 =	vld.msk [tilespmem:s31+$0x0 ss:$0x1], $0xffff;
	_ =	sdelay $0x4  }
0x25: {  	v0 =	vmin.u32 v0, $0x80;
	_ =	sdelay $0x3  }
0x26: {  	s7 =	simm.s32 $0x348;
	s8 =	simm.s32 $0x158  }
0x27: {  	[spmem:s5] =	stream.indirect_vreg.scatter.add.s32 [tilespmem:s7], [sflag:$0x1], $0x1, v0, vm0, $0x4038;
	[tilespmem:$0x408] =	vst v63  }
0x28: {  	v0 =	vld.msk [tilespmem:s8+$0x0 ss:$0x1], $0xffff;
	_ =	sdelay $0x4  }
0x29: {  	v0 =	vmin.u32 v0, $0x80;
	_ =	sdelay $0x3  }
0x2a: {  	s10 =	simm.s32 $0x168;
	s9 =	simm.s32 $0x358  }
0x2b: {  	[spmem:s5] =	stream.indirect_vreg.scatter.add.s32 [tilespmem:s9], [sflag:$0x1], $0x1, v0, vm0, $0x4038;
	[tilespmem:$0x408] =	vst v63  }
0x2c: {  	v0 =	vld.msk [tilespmem:s10+$0x0 ss:$0x1], $0xffff;
	_ =	sdelay $0x4  }
0x2d: {  	v0 =	vmin.u32 v0, $0x80;
	_ =	sdelay $0x3  }
0x2e: {  	s11 =	simm.s32 $0x368;
	s12 =	simm.s32 $0x178  }
0x2f: {  	[spmem:s5] =	stream.indirect_vreg.scatter.add.s32 [tilespmem:s11], [sflag:$0x1], $0x1, v0, vm0, $0x4038;
	[tilespmem:$0x408] =	vst v63  }
0x30: {  	v0 =	vld.msk [tilespmem:s12+$0x0 ss:$0x1], $0xffff;
	_ =	sdelay $0x4  }
0x31: {  	v0 =	vmin.u32 v0, $0x80;
	_ =	sdelay $0x3  }
0x32: {  	s13 =	simm.s32 $0x378;
	s14 =	simm.s32 $0x188  }
0x33: {  	[spmem:s5] =	stream.indirect_vreg.scatter.add.s32 [tilespmem:s13], [sflag:$0x1], $0x1, v0, vm0, $0x4038;
	[tilespmem:$0x408] =	vst v63  }
0x34: {  	v0 =	vld.msk [tilespmem:s14+$0x0 ss:$0x1], $0xffff;
	_ =	sdelay $0x4  }
0x35: {  	v0 =	vmin.u32 v0, $0x80;
	_ =	sdelay $0x3  }
0x36: {  	s15 =	simm.s32 $0x388;
	s16 =	simm.s32 $0x198  }
0x37: {  	[spmem:s5] =	stream.indirect_vreg.scatter.add.s32 [tilespmem:s15], [sflag:$0x1], $0x1, v0, vm0, $0x4038;
	[tilespmem:$0x408] =	vst v63  }
0x38: {  	v0 =	vld.msk [tilespmem:s16+$0x0 ss:$0x1], $0xffff;
	_ =	sdelay $0x4  }
0x39: {  	v0 =	vmin.u32 v0, $0x80;
	_ =	sdelay $0x3  }
0x3a: {  	s17 =	simm.s32 $0x398;
	s18 =	simm.s32 $0x1A8  }
0x3b: {  	[spmem:s5] =	stream.indirect_vreg.scatter.add.s32 [tilespmem:s17], [sflag:$0x1], $0x1, v0, vm0, $0x4038;
	[tilespmem:$0x408] =	vst v63  }
0x3c: {  	v0 =	vld.msk [tilespmem:s18+$0x0 ss:$0x1], $0xffff;
	_ =	sdelay $0x4  }
0x3d: {  	v0 =	vmin.u32 v0, $0x80;
	_ =	sdelay $0x3  }
0x3e: {  	s19 =	simm.s32 $0x3A8;
	s20 =	simm.s32 $0x1B8  }
0x3f: {  	[spmem:s5] =	stream.indirect_vreg.scatter.add.s32 [tilespmem:s19], [sflag:$0x1], $0x1, v0, vm0, $0x4038;
	[tilespmem:$0x408] =	vst v63  }
0x40: {  	v0 =	vld.msk [tilespmem:s20+$0x0 ss:$0x1], $0xffff;
	_ =	sdelay $0x4  }
0x41: {  	v0 =	vmin.u32 v0, $0x80;
	_ =	sdelay $0x3  }
0x42: {  	s21 =	simm.s32 $0x3B8;
	s22 =	simm.s32 $0x1C8  }
0x43: {  	[spmem:s5] =	stream.indirect_vreg.scatter.add.s32 [tilespmem:s21], [sflag:$0x1], $0x1, v0, vm0, $0x4038;
	[tilespmem:$0x408] =	vst v63  }
0x44: {  	v0 =	vld.msk [tilespmem:s22+$0x0 ss:$0x1], $0xffff;
	_ =	sdelay $0x4  }
0x45: {  	v0 =	vmin.u32 v0, $0x80;
	_ =	sdelay $0x3  }
0x46: {  	s23 =	simm.s32 $0x3C8;
	s24 =	simm.s32 $0x1D8  }
0x47: {  	[spmem:s5] =	stream.indirect_vreg.scatter.add.s32 [tilespmem:s23], [sflag:$0x1], $0x1, v0, vm0, $0x4038;
	[tilespmem:$0x408] =	vst v63  }
0x48: {  	v0 =	vld.msk [tilespmem:s24+$0x0 ss:$0x1], $0xffff;
	_ =	sdelay $0x4  }
0x49: {  	v0 =	vmin.u32 v0, $0x80;
	_ =	sdelay $0x3  }
0x4a: {  	s25 =	simm.s32 $0x3D8;
	s26 =	simm.s32 $0x1E8  }
0x4b: {  	[spmem:s5] =	stream.indirect_vreg.scatter.add.s32 [tilespmem:s25], [sflag:$0x1], $0x1, v0, vm0, $0x4038;
	[tilespmem:$0x408] =	vst v63  }
0x4c: {  	v0 =	vld.msk [tilespmem:s26+$0x0 ss:$0x1], $0xffff;
	_ =	sdelay $0x4  }
0x4d: {  	v0 =	vmin.u32 v0, $0x80;
	_ =	sdelay $0x3  }
0x4e: {  	s28 =	simm.s32 $0x3E8;
	s29 =	simm.s32 $0x1F8  }
0x4f: {  	[spmem:s5] =	stream.indirect_vreg.scatter.add.s32 [tilespmem:s28], [sflag:$0x1], $0x1, v0, vm0, $0x4038;
	[tilespmem:$0x408] =	vst v63  }
0x50: {  	v0 =	vld.msk [tilespmem:s29+$0x0 ss:$0x1], $0xffff;
	_ =	sdelay $0x4  }
0x51: {  	v0 =	vmin.u32 v0, $0x80;
	_ =	sdelay $0x3  }
0x52: {  	s30 =	simm.s32 $0x3F8  }
0x53: {  	[spmem:s5] =	stream.indirect_vreg.scatter.add.s32 [tilespmem:s30], [sflag:$0x1], $0x1, v0, vm0, $0x4038;
	[tilespmem:$0x408] =	vst v63  }
0x54: {  	_ =	swait.ge [sflag:s3], $0x100  }
0x55: {  	[sflag:s3] =	ssyncset.done $0x0  }
0x56: {  	[sflag:s3] =	ssyncadd.s32 $0xFFFFFF00  }
0x57: {  	_ =	sfence.sel $0x180000  }
0x58: {  	[bflag:$0x0] =	sbarrier.arrive $0xFFFF  }
0x59: {  	[sflag:s4] =	ssyncpa.u1 $0x1  }
0x5a: {  	[sflag:s3] =	ssyncpa.u1 $0x1  }
0x5b: {  	_ =	sfence.stream.spmem  }
0x5c: {  	s31 =	simm.s32 $0x3D;
	[bflag:$0x0] =	sbarrier.arrive $0xFFFF  }
0x5d: {  	s3 =	simm.s32 @p0 $0x3D;
	[sflag:s31] =	ssyncpa.u1 $0x0  }
0x5e: {  	[sflag:s3] =	ssyncpa.u1 @p0 $0x1  }
0x5f: {  	[bflag:$0x0] =	sbarrier.arrive @p0 $0xFFFF  }
0x60: {  	_ =	strace @p0 $0x90000047  }
0x61: {  	s3 =	simm.s32 @!p0 $0x1C3D;
	[bflag:$0x2] =	sbarrier.arrive @p0 $0xFFFF  }
0x62: {  	[hbm:s1], [sflag:s3] =	dma.local @!p0 [spmem:s2], $0x10  }
0x63: {  	s1 =	simm.s32 @!p0 $0x3D  }
0x64: {  	_ =	swait.ge @!p0 [sflag:s1], $0x10  }
0x65: {  	[sflag:s1] =	ssyncset.done @!p0 $0x0  }
0x66: {  	[sflag:s1] =	ssyncadd.s32 @!p0 $0xFFFFFFF0  }
0x67: {  	[sflag:s1] =	ssyncpa.u1 @!p0 $0x1  }
0x68: {  	[bflag:$0x0] =	sbarrier.arrive @!p0 $0xFFFF  }
0x69: {  	_ =	strace @!p0 $0x90000047  }
0x6a: {  	s0 =	sadd.s32 @!p0 $0x100000, s0;
	[bflag:$0x2] =	sbarrier.arrive @!p0 $0xFFFF  }
0x6b: {  	[sflag:s0] =	ssyncadd.tile.s32 @!p0 $0x1;
	_ =	shalt  }
.Lfunc_end2:
_tile_overlayer_lowered:
.L_overlay_start_2:
0x6c: {  	(tag) =	ssettag $0x2  }
0x6d: {  	s0 =	rddreg [dreg:$0x0];
	s2 =	stileid.u32  }
0x6e: {  	s1 =	rddreg [dreg:$0x1];
	p0 =	sne.s32 s2, $0x0  }
0x6f: {  	s3 =	rddreg [dreg:$0x2];
	[bflag:$0x3] =	sbarrier.arrive $0xFFFF;
	s2 =	simm.s32 @!p0 $0x1C01  }
0x70: {  	[timem:s3], [sflag:s2] =	dma.local @!p0 [hbm:s0], s1  }
0x71: {  	s0 =	simm.s32 @!p0 $0x1  }
0x72: {  	_ =	swait.ge @!p0 [sflag:s0], s1  }
0x73: {  	s1 =	ssub.s32 @!p0 $0x0, s1;
	[sflag:s0] =	ssyncset.done @!p0 $0x0  }
0x74: {  	[sflag:s0] =	ssyncadd.s32 @!p0 s1  }
0x75: {  	[bflag:$0x3] =	sbarrier.arrive $0xFFFF  }
0x76: {  	_ =	shalt  }

</sc_bundles>
